<compile_context>
chip_gen: v7x
topology: tpu7x:2x2x1
jax: 0.10.2.dev20260603
libtpu: 0.0.44.dev20260713+nightly
codegen_flags: <defaults>
</compile_context>

<pallas_src>
import functools

import jax
import jax.numpy as jnp
from jax import lax
from jax.experimental import pallas as pl
from jax.experimental.pallas import tpu as pltpu
from jax.experimental.pallas import tpu_sc as plsc

N = 10000
E = 640000
D = 128

NC = 2
NS = 16
NW = NC * NS
G = 80
CB = 50
NB = 5
EP = NW * NB * CB * G
NBUF = 2
NP = 10240
RPT = NP // NS

_mesh = plsc.VectorSubcoreMesh(core_axis_name="c", subcore_axis_name="s")


@functools.partial(
    pl.kernel,
    mesh=_mesh,
    out_type=jax.ShapeDtypeStruct((NC, NP, D), jnp.float32),
    scratch_types=[
        pltpu.VMEM((CB, G), jnp.int32),
        pltpu.VMEM((CB, G), jnp.int32),
        pltpu.VMEM((G, D), jnp.float32),
        pltpu.VMEM((G, D), jnp.float32),
        pltpu.VMEM_SHARED((NP, D), jnp.float32),
        pltpu.SemaphoreType.DMA,
        pltpu.SemaphoreType.DMA,
        pltpu.SemaphoreType.DMA,
        pltpu.SemaphoreType.DMA,
    ],
)
def _aggregate(h_hbm, src_hbm, dst_hbm, zeros_hbm, out_hbm,
               src_v, dst_v, m0, m1, acc, g0, g1, s0, s1):
    cid = lax.axis_index("c")
    sid = lax.axis_index("s")
    wid = sid * NC + cid
    msg = (m0, m1)
    gsem = (g0, g1)
    ssem = (s0, s1)

    row0 = pl.multiple_of(sid * RPT, 8)
    pltpu.sync_copy(zeros_hbm, acc.at[pl.ds(row0, RPT)])
    plsc.subcore_barrier()

    def outer(bi, carry):
        pltpu.sync_copy(src_hbm.at[wid, bi], src_v)
        pltpu.sync_copy(dst_hbm.at[wid, bi], dst_v)

        for k in range(NBUF):
            pltpu.async_copy(h_hbm.at[src_v.at[k]], msg[k], gsem[k])

        def group(g, c):
            ci = NBUF * g
            for k in range(NBUF):
                pltpu.make_async_copy(
                    h_hbm.at[src_v.at[ci + k]], msg[k], gsem[k]).wait()
                pltpu.async_copy(
                    msg[k], acc.at[dst_v.at[ci + k]], ssem[k], add=True)
            for k in range(NBUF):
                @pl.when(g + 1 < CB // NBUF)
                def _():
                    pltpu.make_async_copy(
                        msg[k], acc.at[dst_v.at[ci + k]], ssem[k]).wait()
                    pltpu.async_copy(
                        h_hbm.at[src_v.at[ci + NBUF + k]], msg[k], gsem[k])
            return c

        carry = lax.fori_loop(0, CB // NBUF, group, carry, unroll=False)

        for k in range(NBUF):
            pltpu.make_async_copy(
                msg[k], acc.at[dst_v.at[CB - NBUF + k]], ssem[k]).wait()
        return carry

    lax.fori_loop(0, NB, outer, 0, unroll=False)

    plsc.subcore_barrier()
    pltpu.sync_copy(acc.at[pl.ds(row0, RPT)],
                    out_hbm.at[cid, pl.ds(row0, RPT)])


BLK = 400


def _matmul_body(p_ref, w_ref, b_ref, o_ref):
    h = p_ref[0] + p_ref[1]
    o_ref[...] = (
        jnp.dot(h, w_ref[...], preferred_element_type=jnp.float32) + b_ref[...]
    )


def _combine_matmul(p, w, b):
    return pl.pallas_call(
        _matmul_body,
        grid=(N // BLK,),
        in_specs=[
            pl.BlockSpec((2, BLK, D), lambda i: (0, i, 0)),
            pl.BlockSpec((D, D), lambda i: (0, 0)),
            pl.BlockSpec((1, D), lambda i: (0, 0)),
        ],
        out_specs=pl.BlockSpec((BLK, D), lambda i: (i, 0)),
        out_shape=jax.ShapeDtypeStruct((N, D), jnp.float32),
    )(p, w, b)


def _final_body(p_ref, w2_ref, fcw_ref, b_ref, o_ref):
    h = p_ref[0] + p_ref[1]
    wc = jnp.dot(w2_ref[...], fcw_ref[...], preferred_element_type=jnp.float32)
    o_ref[...] = jnp.dot(h, wc, preferred_element_type=jnp.float32) + b_ref[...]


def _final_matmul(p, w2, fcw, b2, fcb):
    bc = jnp.concatenate([b2[None, :], fcb[None, :]], axis=0)

    def body(p_ref, w2_ref, fcw_ref, bc_ref, o_ref):
        h = p_ref[0] + p_ref[1]
        wc = jnp.dot(w2_ref[...], fcw_ref[...],
                     preferred_element_type=jnp.float32)
        bias = (
            jnp.dot(bc_ref[0:1, :], fcw_ref[...],
                    preferred_element_type=jnp.float32)
            + bc_ref[1:2, :]
        )
        o_ref[...] = (
            jnp.dot(h, wc, preferred_element_type=jnp.float32) + bias
        )

    return pl.pallas_call(
        body,
        grid=(N // BLK,),
        in_specs=[
            pl.BlockSpec((2, BLK, D), lambda i: (0, i, 0)),
            pl.BlockSpec((D, D), lambda i: (0, 0)),
            pl.BlockSpec((D, D), lambda i: (0, 0)),
            pl.BlockSpec((2, D), lambda i: (0, 0)),
        ],
        out_specs=pl.BlockSpec((BLK, D), lambda i: (i, 0)),
        out_shape=jax.ShapeDtypeStruct((N, D), jnp.float32),
    )(p, w2, fcw, bc)


def kernel(x, edge_index, W0, b0, W1, b1, W2, b2, fcW, fcb):
    npad = EP - E
    pad_src = jnp.zeros((npad,), jnp.int32)
    pad_dst = N + (jnp.arange(npad, dtype=jnp.int32) % (NP - N))
    src = jnp.concatenate([edge_index[0], pad_src]).reshape(NW, NB, CB, G)
    dst = jnp.concatenate([edge_index[1], pad_dst]).reshape(NW, NB, CB, G)
    zeros = jnp.zeros((RPT, D), jnp.float32)

    p = _aggregate(x, src, dst, zeros)
    h = _combine_matmul(p, W0, b0[None, :])
    p = _aggregate(h, src, dst, zeros)
    h = _combine_matmul(p, W1, b1[None, :])
    p = _aggregate(h, src, dst, zeros)
    return _final_matmul(p, W2, fcW, b2, fcb)

# --- scband reference (transcript-rebuilt; emitter-appended) ---
"""Pipeline reference for scband-gcn-18098992185814 (READ-ONLY COPY).

The authoritative reference and input builder live on the scoring server;
editing this copy changes nothing except your own understanding.
"""

import jax, jax.numpy as jnp
import numpy as np

N = 10000
E = 640000
D_IN = 128
D_HID = 128
D_OUT = 128


def setup_inputs(seed: int = 0):
    key = jax.random.key(seed)
    ks = jax.random.split(key, 10)
    x = jax.random.normal(ks[0], (N, D_IN), dtype=jnp.float32)
    edge_index = jax.random.randint(ks[1], (2, E), 0, N, dtype=jnp.int32)
    # GCNConv params (normalize=False): lin weight (no bias in lin) + separate bias
    s = 1.0 / np.sqrt(D_IN)
    W0 = jax.random.uniform(ks[2], (D_IN, D_HID), jnp.float32, -s, s)
    b0 = jnp.zeros((D_HID,), jnp.float32)
    s1 = 1.0 / np.sqrt(D_HID)
    W1 = jax.random.uniform(ks[3], (D_HID, D_HID), jnp.float32, -s1, s1)
    b1 = jnp.zeros((D_HID,), jnp.float32)
    W2 = jax.random.uniform(ks[4], (D_HID, D_OUT), jnp.float32, -s1, s1)
    b2 = jnp.zeros((D_OUT,), jnp.float32)
    so = 1.0 / np.sqrt(D_OUT)
    fcW = jax.random.uniform(ks[5], (D_OUT, D_OUT), jnp.float32, -so, so)
    fcb = jax.random.uniform(ks[6], (D_OUT,), jnp.float32, -so, so)
    return {"x": x, "edge_index": edge_index, "W0": W0, "b0": b0, "W1": W1, "b1": b1, "W2": W2, "b2": b2, "fcW": fcW, "fcb": fcb}


def reference(x, edge_index, W0, b0, W1, b1, W2, b2, fcW, fcb):
    src = edge_index[0]
    dst = edge_index[1]
    h = x
    for W, b in ((W0, b0), (W1, b1), (W2, b2)):
        h = h @ W                      # lin (bias=False)
        msg = jnp.take(h, src, axis=0) # gather messages from source nodes
        h = jnp.zeros((N, W.shape[1]), h.dtype).at[dst].add(msg)  # sum-aggregate at dst
        h = h + b                      # GCNConv bias
    out = h @ fcW + fcb
    return out

if __name__ == "__main__":
    import jax
    _d = setup_inputs()
    print(jax.jit(kernel)(*tuple(_d.values())))

</pallas_src>

<mosaic_0001>
#map = affine_map<(d0, d1) -> (0, 0)>
#map1 = affine_map<(d0, d1) -> (0, 0, 0, 0)>
#map2 = affine_map<(d0, d1) -> (0, 0, 0)>
module attributes {stable_mosaic.version = 14 : i64} {
  func.func @_aggregate(%arg0: i32, %arg1: i32, %arg2: memref<10000x128xf32, #tpu.memory_space<hbm>>, %arg3: memref<32x5x50x80xi32, #tpu.memory_space<hbm>>, %arg4: memref<32x5x50x80xi32, #tpu.memory_space<hbm>>, %arg5: memref<640x128xf32, #tpu.memory_space<hbm>>, %arg6: memref<2x10240x128xf32, #tpu.memory_space<hbm>>, %arg7: memref<50x80xi32, #tpu.memory_space<vmem>>, %arg8: memref<50x80xi32, #tpu.memory_space<vmem>>, %arg9: memref<80x128xf32, #tpu.memory_space<vmem>>, %arg10: memref<80x128xf32, #tpu.memory_space<vmem>>, %arg11: memref<10240x128xf32, #tpu.memory_space<vmem_shared>>, %arg12: memref<!tpu.dma_semaphore, #tpu.memory_space<semaphore_mem>>, %arg13: memref<!tpu.dma_semaphore, #tpu.memory_space<semaphore_mem>>, %arg14: memref<!tpu.dma_semaphore, #tpu.memory_space<semaphore_mem>>, %arg15: memref<!tpu.dma_semaphore, #tpu.memory_space<semaphore_mem>>) attributes {dimension_semantics = [#tpu.dimension_semantics<core_parallel>, #tpu.dimension_semantics<subcore_parallel>], iteration_bounds = array<i64: 2, 16>, scalar_prefetch = 0 : i64, scratch_operands = 9 : i64, tpu.core_type = #tpu.core_type<sc_vector_subcore>, window_params = [{transform_indices = #map}, {transform_indices = #map1}, {transform_indices = #map1}, {transform_indices = #map}, {transform_indices = #map2}]} {
    %mul3A = arith.constant 2 : i32
    %mul3A_0 = arith.muli %arg1, %mul3A : i32
    %add3A = arith.addi %mul3A_0, %arg0 : i32
    %mul3A_1 = arith.constant 640 : i32
    %mul3A_2 = arith.muli %arg1, %mul3A_1 : i32
    %multiple_of3A = tpu.assume_multiple %mul3A_2, 8 : i32
    "tpu.region"() ({
      %run_scoped3A = tpu.sem_alloc : memref<!tpu.dma_semaphore, #tpu.memory_space<semaphore_mem>>
      %dma_start3A = arith.constant 0 : i32
      %dma_start3A_9 = tpu.memref_slice %arg11[%multiple_of3A, %dma_start3A] : memref<10240x128xf32, #tpu.memory_space<vmem_shared>> -> memref<640x128xf32, #tpu.memory_space<vmem_shared>>
      tpu.enqueue_dma source(%arg5 : memref<640x128xf32, #tpu.memory_space<hbm>>) target(%dma_start3A_9 : memref<640x128xf32, #tpu.memory_space<vmem_shared>>) target_semaphore(%run_scoped3A : memref<!tpu.dma_semaphore, #tpu.memory_space<semaphore_mem>>)
      %dma_wait3A = arith.constant 0 : i32
      %dma_wait3A_10 = tpu.memref_slice %arg11[%multiple_of3A, %dma_wait3A] : memref<10240x128xf32, #tpu.memory_space<vmem_shared>> -> memref<640x128xf32, #tpu.memory_space<vmem_shared>>
      tpu.wait_dma2 semaphore(%run_scoped3A : memref<!tpu.dma_semaphore, #tpu.memory_space<semaphore_mem>>) src(%arg5 : memref<640x128xf32, #tpu.memory_space<hbm>>) dst(%dma_wait3A_10 : memref<640x128xf32, #tpu.memory_space<vmem_shared>>)
      tpu.yield
    }) : () -> ()
    %barrier3A = arith.constant 0 : index
    tpu.barrier barrier_id(%barrier3A)
    %scan3A = arith.constant 0 : i32
    %scan3A_3 = arith.constant 0 : i32
    %scan3A_4 = arith.constant 5 : i32
    %scan3A_5 = arith.addi %scan3A_3, %scan3A_4 : i32
    %scan3A_6 = arith.constant 1 : i32
    scf.for %scan3A_9 = %scan3A_3 to %scan3A_5 step %scan3A_6  : i32 {
      "tpu.region"() ({
        %run_scoped3A = tpu.sem_alloc : memref<!tpu.dma_semaphore, #tpu.memory_space<semaphore_mem>>
        %dma_start3A_41 = arith.constant 0 : i32
        %dma_start3A_42 = arith.constant 0 : i32
        %dma_start3A_43 = tpu.memref_slice %arg3[%add3A, %scan3A_9, %dma_start3A_41, %dma_start3A_42] : memref<32x5x50x80xi32, #tpu.memory_space<hbm>> -> memref<1x1x50x80xi32, #tpu.memory_space<hbm>>
        %dma_start3A_44 = tpu.memref_squeeze %dma_start3A_43 : memref<1x1x50x80xi32, #tpu.memory_space<hbm>> -> memref<50x80xi32, #tpu.memory_space<hbm>>
        %dma_start3A_45 = arith.constant 0 : i32
        %dma_start3A_46 = arith.constant 0 : i32
        %dma_start3A_47 = tpu.memref_slice %arg3[%add3A, %scan3A_9, %dma_start3A_45, %dma_start3A_46] : memref<32x5x50x80xi32, #tpu.memory_space<hbm>> -> memref<1x1x50x80xi32, #tpu.memory_space<hbm>>
        %dma_start3A_48 = tpu.memref_squeeze %dma_start3A_47 : memref<1x1x50x80xi32, #tpu.memory_space<hbm>> -> memref<50x80xi32, #tpu.memory_space<hbm>>
        tpu.enqueue_dma source(%dma_start3A_48 : memref<50x80xi32, #tpu.memory_space<hbm>>) target(%arg7 : memref<50x80xi32, #tpu.memory_space<vmem>>) target_semaphore(%run_scoped3A : memref<!tpu.dma_semaphore, #tpu.memory_space<semaphore_mem>>)
        %dma_wait3A_49 = arith.constant 0 : i32
        %dma_wait3A_50 = arith.constant 0 : i32
        %dma_wait3A_51 = tpu.memref_slice %arg3[%add3A, %scan3A_9, %dma_wait3A_49, %dma_wait3A_50] : memref<32x5x50x80xi32, #tpu.memory_space<hbm>> -> memref<1x1x50x80xi32, #tpu.memory_space<hbm>>
        %dma_wait3A_52 = tpu.memref_squeeze %dma_wait3A_51 : memref<1x1x50x80xi32, #tpu.memory_space<hbm>> -> memref<50x80xi32, #tpu.memory_space<hbm>>
        %dma_wait3A_53 = arith.constant 0 : i32
        %dma_wait3A_54 = arith.constant 0 : i32
        %dma_wait3A_55 = tpu.memref_slice %arg3[%add3A, %scan3A_9, %dma_wait3A_53, %dma_wait3A_54] : memref<32x5x50x80xi32, #tpu.memory_space<hbm>> -> memref<1x1x50x80xi32, #tpu.memory_space<hbm>>
        %dma_wait3A_56 = tpu.memref_squeeze %dma_wait3A_55 : memref<1x1x50x80xi32, #tpu.memory_space<hbm>> -> memref<50x80xi32, #tpu.memory_space<hbm>>
        tpu.wait_dma2 semaphore(%run_scoped3A : memref<!tpu.dma_semaphore, #tpu.memory_space<semaphore_mem>>) src(%dma_wait3A_56 : memref<50x80xi32, #tpu.memory_space<hbm>>) dst(%arg7 : memref<50x80xi32, #tpu.memory_space<vmem>>)
        tpu.yield
      }) : () -> ()
      "tpu.region"() ({
        %run_scoped3A = tpu.sem_alloc : memref<!tpu.dma_semaphore, #tpu.memory_space<semaphore_mem>>
        %dma_start3A_41 = arith.constant 0 : i32
        %dma_start3A_42 = arith.constant 0 : i32
        %dma_start3A_43 = tpu.memref_slice %arg4[%add3A, %scan3A_9, %dma_start3A_41, %dma_start3A_42] : memref<32x5x50x80xi32, #tpu.memory_space<hbm>> -> memref<1x1x50x80xi32, #tpu.memory_space<hbm>>
        %dma_start3A_44 = tpu.memref_squeeze %dma_start3A_43 : memref<1x1x50x80xi32, #tpu.memory_space<hbm>> -> memref<50x80xi32, #tpu.memory_space<hbm>>
        %dma_start3A_45 = arith.constant 0 : i32
        %dma_start3A_46 = arith.constant 0 : i32
        %dma_start3A_47 = tpu.memref_slice %arg4[%add3A, %scan3A_9, %dma_start3A_45, %dma_start3A_46] : memref<32x5x50x80xi32, #tpu.memory_space<hbm>> -> memref<1x1x50x80xi32, #tpu.memory_space<hbm>>
        %dma_start3A_48 = tpu.memref_squeeze %dma_start3A_47 : memref<1x1x50x80xi32, #tpu.memory_space<hbm>> -> memref<50x80xi32, #tpu.memory_space<hbm>>
        tpu.enqueue_dma source(%dma_start3A_48 : memref<50x80xi32, #tpu.memory_space<hbm>>) target(%arg8 : memref<50x80xi32, #tpu.memory_space<vmem>>) target_semaphore(%run_scoped3A : memref<!tpu.dma_semaphore, #tpu.memory_space<semaphore_mem>>)
        %dma_wait3A_49 = arith.constant 0 : i32
        %dma_wait3A_50 = arith.constant 0 : i32
        %dma_wait3A_51 = tpu.memref_slice %arg4[%add3A, %scan3A_9, %dma_wait3A_49, %dma_wait3A_50] : memref<32x5x50x80xi32, #tpu.memory_space<hbm>> -> memref<1x1x50x80xi32, #tpu.memory_space<hbm>>
        %dma_wait3A_52 = tpu.memref_squeeze %dma_wait3A_51 : memref<1x1x50x80xi32, #tpu.memory_space<hbm>> -> memref<50x80xi32, #tpu.memory_space<hbm>>
        %dma_wait3A_53 = arith.constant 0 : i32
        %dma_wait3A_54 = arith.constant 0 : i32
        %dma_wait3A_55 = tpu.memref_slice %arg4[%add3A, %scan3A_9, %dma_wait3A_53, %dma_wait3A_54] : memref<32x5x50x80xi32, #tpu.memory_space<hbm>> -> memref<1x1x50x80xi32, #tpu.memory_space<hbm>>
        %dma_wait3A_56 = tpu.memref_squeeze %dma_wait3A_55 : memref<1x1x50x80xi32, #tpu.memory_space<hbm>> -> memref<50x80xi32, #tpu.memory_space<hbm>>
        tpu.wait_dma2 semaphore(%run_scoped3A : memref<!tpu.dma_semaphore, #tpu.memory_space<semaphore_mem>>) src(%dma_wait3A_56 : memref<50x80xi32, #tpu.memory_space<hbm>>) dst(%arg8 : memref<50x80xi32, #tpu.memory_space<vmem>>)
        tpu.yield
      }) : () -> ()
      %dma_start3A = arith.constant 0 : i32
      %dma_start3A_10 = arith.constant 0 : i32
      %dma_start3A_11 = tpu.memref_slice %arg7[%dma_start3A, %dma_start3A_10] : memref<50x80xi32, #tpu.memory_space<vmem>> -> memref<1x80xi32, #tpu.memory_space<vmem>>
      %dma_start3A_12 = tpu.memref_squeeze %dma_start3A_11 : memref<1x80xi32, #tpu.memory_space<vmem>> -> memref<80xi32, #tpu.memory_space<vmem>>
      %dma_start3A_13 = arith.constant 0 : i32
      %dma_start3A_14 = arith.constant 0 : i32
      %dma_start3A_15 = tpu.memref_slice %arg2[%dma_start3A_13, %dma_start3A_14] : memref<10000x128xf32, #tpu.memory_space<hbm>> -> memref<10000x128xf32, #tpu.memory_space<hbm>>
      tpu.enqueue_indirect_dma source(%dma_start3A_15 : memref<10000x128xf32, #tpu.memory_space<hbm>>) target(%arg9 : memref<80x128xf32, #tpu.memory_space<vmem>>) offsets(%dma_start3A_12 : memref<80xi32, #tpu.memory_space<vmem>>) semaphore(%arg12 : memref<!tpu.dma_semaphore, #tpu.memory_space<semaphore_mem>>)
      %dma_start3A_16 = arith.constant 1 : i32
      %dma_start3A_17 = arith.constant 0 : i32
      %dma_start3A_18 = tpu.memref_slice %arg7[%dma_start3A_16, %dma_start3A_17] : memref<50x80xi32, #tpu.memory_space<vmem>> -> memref<1x80xi32, #tpu.memory_space<vmem>>
      %dma_start3A_19 = tpu.memref_squeeze %dma_start3A_18 : memref<1x80xi32, #tpu.memory_space<vmem>> -> memref<80xi32, #tpu.memory_space<vmem>>
      %dma_start3A_20 = arith.constant 0 : i32
      %dma_start3A_21 = arith.constant 0 : i32
      %dma_start3A_22 = tpu.memref_slice %arg2[%dma_start3A_20, %dma_start3A_21] : memref<10000x128xf32, #tpu.memory_space<hbm>> -> memref<10000x128xf32, #tpu.memory_space<hbm>>
      tpu.enqueue_indirect_dma source(%dma_start3A_22 : memref<10000x128xf32, #tpu.memory_space<hbm>>) target(%arg10 : memref<80x128xf32, #tpu.memory_space<vmem>>) offsets(%dma_start3A_19 : memref<80xi32, #tpu.memory_space<vmem>>) semaphore(%arg13 : memref<!tpu.dma_semaphore, #tpu.memory_space<semaphore_mem>>)
      %scan3A_23 = arith.constant 0 : i32
      %scan3A_24 = arith.constant 25 : i32
      %scan3A_25 = arith.addi %scan3A_23, %scan3A_24 : i32
      %scan3A_26 = arith.constant 1 : i32
      scf.for %scan3A_41 = %scan3A_23 to %scan3A_25 step %scan3A_26  : i32 {
        %mul3A_42 = arith.constant 2 : i32
        %mul3A_43 = arith.muli %mul3A_42, %scan3A_41 : i32
        %add3A_44 = arith.constant 0 : i32
        %add3A_45 = arith.addi %mul3A_43, %add3A_44 : i32
        %dma_wait3A_46 = arith.constant 0 : i32
        %dma_wait3A_47 = tpu.memref_slice %arg7[%add3A_45, %dma_wait3A_46] : memref<50x80xi32, #tpu.memory_space<vmem>> -> memref<1x80xi32, #tpu.memory_space<vmem>>
        %dma_wait3A_48 = tpu.memref_squeeze %dma_wait3A_47 : memref<1x80xi32, #tpu.memory_space<vmem>> -> memref<80xi32, #tpu.memory_space<vmem>>
        %dma_wait3A_49 = arith.constant 0 : i32
        %dma_wait3A_50 = arith.constant 0 : i32
        %dma_wait3A_51 = tpu.memref_slice %arg2[%dma_wait3A_49, %dma_wait3A_50] : memref<10000x128xf32, #tpu.memory_space<hbm>> -> memref<10000x128xf32, #tpu.memory_space<hbm>>
        tpu.wait_indirect_dma semaphore(%arg12 : memref<!tpu.dma_semaphore, #tpu.memory_space<semaphore_mem>>) src(%dma_wait3A_51 : memref<10000x128xf32, #tpu.memory_space<hbm>>) dst(%arg9 : memref<80x128xf32, #tpu.memory_space<vmem>>)
        %add3A_52 = arith.constant 0 : i32
        %add3A_53 = arith.addi %mul3A_43, %add3A_52 : i32
        %dma_start3A_54 = arith.constant 0 : i32
        %dma_start3A_55 = tpu.memref_slice %arg8[%add3A_53, %dma_start3A_54] : memref<50x80xi32, #tpu.memory_space<vmem>> -> memref<1x80xi32, #tpu.memory_space<vmem>>
        %dma_start3A_56 = tpu.memref_squeeze %dma_start3A_55 : memref<1x80xi32, #tpu.memory_space<vmem>> -> memref<80xi32, #tpu.memory_space<vmem>>
        %dma_start3A_57 = arith.constant 0 : i32
        %dma_start3A_58 = arith.constant 0 : i32
        %dma_start3A_59 = tpu.memref_slice %arg11[%dma_start3A_57, %dma_start3A_58] : memref<10240x128xf32, #tpu.memory_space<vmem_shared>> -> memref<10240x128xf32, #tpu.memory_space<vmem_shared>>
        tpu.enqueue_indirect_dma source(%arg9 : memref<80x128xf32, #tpu.memory_space<vmem>>) target(%dma_start3A_59 : memref<10240x128xf32, #tpu.memory_space<vmem_shared>>) offsets(%dma_start3A_56 : memref<80xi32, #tpu.memory_space<vmem>>) semaphore(%arg14 : memref<!tpu.dma_semaphore, #tpu.memory_space<semaphore_mem>>) {add = true}
        %add3A_60 = arith.constant 1 : i32
        %add3A_61 = arith.addi %mul3A_43, %add3A_60 : i32
        %dma_wait3A_62 = arith.constant 0 : i32
        %dma_wait3A_63 = tpu.memref_slice %arg7[%add3A_61, %dma_wait3A_62] : memref<50x80xi32, #tpu.memory_space<vmem>> -> memref<1x80xi32, #tpu.memory_space<vmem>>
        %dma_wait3A_64 = tpu.memref_squeeze %dma_wait3A_63 : memref<1x80xi32, #tpu.memory_space<vmem>> -> memref<80xi32, #tpu.memory_space<vmem>>
        %dma_wait3A_65 = arith.constant 0 : i32
        %dma_wait3A_66 = arith.constant 0 : i32
        %dma_wait3A_67 = tpu.memref_slice %arg2[%dma_wait3A_65, %dma_wait3A_66] : memref<10000x128xf32, #tpu.memory_space<hbm>> -> memref<10000x128xf32, #tpu.memory_space<hbm>>
        tpu.wait_indirect_dma semaphore(%arg13 : memref<!tpu.dma_semaphore, #tpu.memory_space<semaphore_mem>>) src(%dma_wait3A_67 : memref<10000x128xf32, #tpu.memory_space<hbm>>) dst(%arg10 : memref<80x128xf32, #tpu.memory_space<vmem>>)
        %add3A_68 = arith.constant 1 : i32
        %add3A_69 = arith.addi %mul3A_43, %add3A_68 : i32
        %dma_start3A_70 = arith.constant 0 : i32
        %dma_start3A_71 = tpu.memref_slice %arg8[%add3A_69, %dma_start3A_70] : memref<50x80xi32, #tpu.memory_space<vmem>> -> memref<1x80xi32, #tpu.memory_space<vmem>>
        %dma_start3A_72 = tpu.memref_squeeze %dma_start3A_71 : memref<1x80xi32, #tpu.memory_space<vmem>> -> memref<80xi32, #tpu.memory_space<vmem>>
        %dma_start3A_73 = arith.constant 0 : i32
        %dma_start3A_74 = arith.constant 0 : i32
        %dma_start3A_75 = tpu.memref_slice %arg11[%dma_start3A_73, %dma_start3A_74] : memref<10240x128xf32, #tpu.memory_space<vmem_shared>> -> memref<10240x128xf32, #tpu.memory_space<vmem_shared>>
        tpu.enqueue_indirect_dma source(%arg10 : memref<80x128xf32, #tpu.memory_space<vmem>>) target(%dma_start3A_75 : memref<10240x128xf32, #tpu.memory_space<vmem_shared>>) offsets(%dma_start3A_72 : memref<80xi32, #tpu.memory_space<vmem>>) semaphore(%arg15 : memref<!tpu.dma_semaphore, #tpu.memory_space<semaphore_mem>>) {add = true}
        %add3A_76 = arith.constant 1 : i32
        %add3A_77 = arith.addi %scan3A_41, %add3A_76 : i32
        %lt3A = arith.constant 25 : i32
        %lt3A_78 = arith.cmpi slt, %add3A_77, %lt3A : i32
        %convert_element_type3A = arith.extui %lt3A_78 : i1 to i32
        %cond3A = arith.constant 0 : i32
        %cond3A_79 = arith.cmpi ne, %convert_element_type3A, %cond3A : i32
        scf.if %cond3A_79 {
          %add3A_87 = arith.constant 0 : i32
          %add3A_88 = arith.addi %mul3A_43, %add3A_87 : i32
          %dma_wait3A_89 = arith.constant 0 : i32
          %dma_wait3A_90 = tpu.memref_slice %arg8[%add3A_88, %dma_wait3A_89] : memref<50x80xi32, #tpu.memory_space<vmem>> -> memref<1x80xi32, #tpu.memory_space<vmem>>
          %dma_wait3A_91 = tpu.memref_squeeze %dma_wait3A_90 : memref<1x80xi32, #tpu.memory_space<vmem>> -> memref<80xi32, #tpu.memory_space<vmem>>
          %dma_wait3A_92 = arith.constant 0 : i32
          %dma_wait3A_93 = arith.constant 0 : i32
          %dma_wait3A_94 = tpu.memref_slice %arg11[%dma_wait3A_92, %dma_wait3A_93] : memref<10240x128xf32, #tpu.memory_space<vmem_shared>> -> memref<10240x128xf32, #tpu.memory_space<vmem_shared>>
          tpu.wait_indirect_dma semaphore(%arg14 : memref<!tpu.dma_semaphore, #tpu.memory_space<semaphore_mem>>) src(%arg9 : memref<80x128xf32, #tpu.memory_space<vmem>>) dst(%dma_wait3A_94 : memref<10240x128xf32, #tpu.memory_space<vmem_shared>>)
          %add3A_95 = arith.constant 2 : i32
          %add3A_96 = arith.addi %mul3A_43, %add3A_95 : i32
          %add3A_97 = arith.constant 0 : i32
          %add3A_98 = arith.addi %add3A_96, %add3A_97 : i32
          %dma_start3A_99 = arith.constant 0 : i32
          %dma_start3A_100 = tpu.memref_slice %arg7[%add3A_98, %dma_start3A_99] : memref<50x80xi32, #tpu.memory_space<vmem>> -> memref<1x80xi32, #tpu.memory_space<vmem>>
          %dma_start3A_101 = tpu.memref_squeeze %dma_start3A_100 : memref<1x80xi32, #tpu.memory_space<vmem>> -> memref<80xi32, #tpu.memory_space<vmem>>
          %dma_start3A_102 = arith.constant 0 : i32
          %dma_start3A_103 = arith.constant 0 : i32
          %dma_start3A_104 = tpu.memref_slice %arg2[%dma_start3A_102, %dma_start3A_103] : memref<10000x128xf32, #tpu.memory_space<hbm>> -> memref<10000x128xf32, #tpu.memory_space<hbm>>
          tpu.enqueue_indirect_dma source(%dma_start3A_104 : memref<10000x128xf32, #tpu.memory_space<hbm>>) target(%arg9 : memref<80x128xf32, #tpu.memory_space<vmem>>) offsets(%dma_start3A_101 : memref<80xi32, #tpu.memory_space<vmem>>) semaphore(%arg12 : memref<!tpu.dma_semaphore, #tpu.memory_space<semaphore_mem>>)
        } else {
        }
        %add3A_80 = arith.constant 1 : i32
        %add3A_81 = arith.addi %scan3A_41, %add3A_80 : i32
        %lt3A_82 = arith.constant 25 : i32
        %lt3A_83 = arith.cmpi slt, %add3A_81, %lt3A_82 : i32
        %convert_element_type3A_84 = arith.extui %lt3A_83 : i1 to i32
        %cond3A_85 = arith.constant 0 : i32
        %cond3A_86 = arith.cmpi ne, %convert_element_type3A_84, %cond3A_85 : i32
        scf.if %cond3A_86 {
          %add3A_87 = arith.constant 1 : i32
          %add3A_88 = arith.addi %mul3A_43, %add3A_87 : i32
          %dma_wait3A_89 = arith.constant 0 : i32
          %dma_wait3A_90 = tpu.memref_slice %arg8[%add3A_88, %dma_wait3A_89] : memref<50x80xi32, #tpu.memory_space<vmem>> -> memref<1x80xi32, #tpu.memory_space<vmem>>
          %dma_wait3A_91 = tpu.memref_squeeze %dma_wait3A_90 : memref<1x80xi32, #tpu.memory_space<vmem>> -> memref<80xi32, #tpu.memory_space<vmem>>
          %dma_wait3A_92 = arith.constant 0 : i32
          %dma_wait3A_93 = arith.constant 0 : i32
          %dma_wait3A_94 = tpu.memref_slice %arg11[%dma_wait3A_92, %dma_wait3A_93] : memref<10240x128xf32, #tpu.memory_space<vmem_shared>> -> memref<10240x128xf32, #tpu.memory_space<vmem_shared>>
          tpu.wait_indirect_dma semaphore(%arg15 : memref<!tpu.dma_semaphore, #tpu.memory_space<semaphore_mem>>) src(%arg10 : memref<80x128xf32, #tpu.memory_space<vmem>>) dst(%dma_wait3A_94 : memref<10240x128xf32, #tpu.memory_space<vmem_shared>>)
          %add3A_95 = arith.constant 2 : i32
          %add3A_96 = arith.addi %mul3A_43, %add3A_95 : i32
          %add3A_97 = arith.constant 1 : i32
          %add3A_98 = arith.addi %add3A_96, %add3A_97 : i32
          %dma_start3A_99 = arith.constant 0 : i32
          %dma_start3A_100 = tpu.memref_slice %arg7[%add3A_98, %dma_start3A_99] : memref<50x80xi32, #tpu.memory_space<vmem>> -> memref<1x80xi32, #tpu.memory_space<vmem>>
          %dma_start3A_101 = tpu.memref_squeeze %dma_start3A_100 : memref<1x80xi32, #tpu.memory_space<vmem>> -> memref<80xi32, #tpu.memory_space<vmem>>
          %dma_start3A_102 = arith.constant 0 : i32
          %dma_start3A_103 = arith.constant 0 : i32
          %dma_start3A_104 = tpu.memref_slice %arg2[%dma_start3A_102, %dma_start3A_103] : memref<10000x128xf32, #tpu.memory_space<hbm>> -> memref<10000x128xf32, #tpu.memory_space<hbm>>
          tpu.enqueue_indirect_dma source(%dma_start3A_104 : memref<10000x128xf32, #tpu.memory_space<hbm>>) target(%arg10 : memref<80x128xf32, #tpu.memory_space<vmem>>) offsets(%dma_start3A_101 : memref<80xi32, #tpu.memory_space<vmem>>) semaphore(%arg13 : memref<!tpu.dma_semaphore, #tpu.memory_space<semaphore_mem>>)
        } else {
        }
      }
      %scan3A_27 = arith.constant 25 : i32
      %dma_wait3A = arith.constant 48 : i32
      %dma_wait3A_28 = arith.constant 0 : i32
      %dma_wait3A_29 = tpu.memref_slice %arg8[%dma_wait3A, %dma_wait3A_28] : memref<50x80xi32, #tpu.memory_space<vmem>> -> memref<1x80xi32, #tpu.memory_space<vmem>>
      %dma_wait3A_30 = tpu.memref_squeeze %dma_wait3A_29 : memref<1x80xi32, #tpu.memory_space<vmem>> -> memref<80xi32, #tpu.memory_space<vmem>>
      %dma_wait3A_31 = arith.constant 0 : i32
      %dma_wait3A_32 = arith.constant 0 : i32
      %dma_wait3A_33 = tpu.memref_slice %arg11[%dma_wait3A_31, %dma_wait3A_32] : memref<10240x128xf32, #tpu.memory_space<vmem_shared>> -> memref<10240x128xf32, #tpu.memory_space<vmem_shared>>
      tpu.wait_indirect_dma semaphore(%arg14 : memref<!tpu.dma_semaphore, #tpu.memory_space<semaphore_mem>>) src(%arg9 : memref<80x128xf32, #tpu.memory_space<vmem>>) dst(%dma_wait3A_33 : memref<10240x128xf32, #tpu.memory_space<vmem_shared>>)
      %dma_wait3A_34 = arith.constant 49 : i32
      %dma_wait3A_35 = arith.constant 0 : i32
      %dma_wait3A_36 = tpu.memref_slice %arg8[%dma_wait3A_34, %dma_wait3A_35] : memref<50x80xi32, #tpu.memory_space<vmem>> -> memref<1x80xi32, #tpu.memory_space<vmem>>
      %dma_wait3A_37 = tpu.memref_squeeze %dma_wait3A_36 : memref<1x80xi32, #tpu.memory_space<vmem>> -> memref<80xi32, #tpu.memory_space<vmem>>
      %dma_wait3A_38 = arith.constant 0 : i32
      %dma_wait3A_39 = arith.constant 0 : i32
      %dma_wait3A_40 = tpu.memref_slice %arg11[%dma_wait3A_38, %dma_wait3A_39] : memref<10240x128xf32, #tpu.memory_space<vmem_shared>> -> memref<10240x128xf32, #tpu.memory_space<vmem_shared>>
      tpu.wait_indirect_dma semaphore(%arg15 : memref<!tpu.dma_semaphore, #tpu.memory_space<semaphore_mem>>) src(%arg10 : memref<80x128xf32, #tpu.memory_space<vmem>>) dst(%dma_wait3A_40 : memref<10240x128xf32, #tpu.memory_space<vmem_shared>>)
    }
    %scan3A_7 = arith.constant 5 : i32
    %barrier3A_8 = arith.constant 0 : index
    tpu.barrier barrier_id(%barrier3A_8)
    "tpu.region"() ({
      %run_scoped3A = tpu.sem_alloc : memref<!tpu.dma_semaphore, #tpu.memory_space<semaphore_mem>>
      %dma_start3A = arith.constant 0 : i32
      %dma_start3A_9 = tpu.memref_slice %arg6[%arg0, %multiple_of3A, %dma_start3A] : memref<2x10240x128xf32, #tpu.memory_space<hbm>> -> memref<1x640x128xf32, #tpu.memory_space<hbm>>
      %dma_start3A_10 = tpu.memref_squeeze %dma_start3A_9 : memref<1x640x128xf32, #tpu.memory_space<hbm>> -> memref<640x128xf32, #tpu.memory_space<hbm>>
      %dma_start3A_11 = arith.constant 0 : i32
      %dma_start3A_12 = tpu.memref_slice %arg11[%multiple_of3A, %dma_start3A_11] : memref<10240x128xf32, #tpu.memory_space<vmem_shared>> -> memref<640x128xf32, #tpu.memory_space<vmem_shared>>
      tpu.enqueue_dma source(%dma_start3A_12 : memref<640x128xf32, #tpu.memory_space<vmem_shared>>) target(%dma_start3A_10 : memref<640x128xf32, #tpu.memory_space<hbm>>) target_semaphore(%run_scoped3A : memref<!tpu.dma_semaphore, #tpu.memory_space<semaphore_mem>>)
      %dma_wait3A = arith.constant 0 : i32
      %dma_wait3A_13 = tpu.memref_slice %arg6[%arg0, %multiple_of3A, %dma_wait3A] : memref<2x10240x128xf32, #tpu.memory_space<hbm>> -> memref<1x640x128xf32, #tpu.memory_space<hbm>>
      %dma_wait3A_14 = tpu.memref_squeeze %dma_wait3A_13 : memref<1x640x128xf32, #tpu.memory_space<hbm>> -> memref<640x128xf32, #tpu.memory_space<hbm>>
      %dma_wait3A_15 = arith.constant 0 : i32
      %dma_wait3A_16 = tpu.memref_slice %arg11[%multiple_of3A, %dma_wait3A_15] : memref<10240x128xf32, #tpu.memory_space<vmem_shared>> -> memref<640x128xf32, #tpu.memory_space<vmem_shared>>
      tpu.wait_dma2 semaphore(%run_scoped3A : memref<!tpu.dma_semaphore, #tpu.memory_space<semaphore_mem>>) src(%dma_wait3A_16 : memref<640x128xf32, #tpu.memory_space<vmem_shared>>) dst(%dma_wait3A_14 : memref<640x128xf32, #tpu.memory_space<hbm>>)
      tpu.yield
    }) : () -> ()
    return
  }
}

#map = affine_map<(d0, d1) -> (0, 0)>
#map1 = affine_map<(d0, d1) -> (0, 0, 0, 0)>
#map2 = affine_map<(d0, d1) -> (0, 0, 0)>
module attributes {stable_mosaic.version = 14 : i64} {
  func.func @_aggregate(%arg0: i32, %arg1: i32, %arg2: memref<10000x128xf32, #tpu.memory_space<hbm>>, %arg3: memref<32x5x50x80xi32, #tpu.memory_space<hbm>>, %arg4: memref<32x5x50x80xi32, #tpu.memory_space<hbm>>, %arg5: memref<640x128xf32, #tpu.memory_space<hbm>>, %arg6: memref<2x10240x128xf32, #tpu.memory_space<hbm>>, %arg7: memref<50x80xi32, #tpu.memory_space<vmem>>, %arg8: memref<50x80xi32, #tpu.memory_space<vmem>>, %arg9: memref<80x128xf32, #tpu.memory_space<vmem>>, %arg10: memref<80x128xf32, #tpu.memory_space<vmem>>, %arg11: memref<10240x128xf32, #tpu.memory_space<vmem_shared>>, %arg12: memref<!tpu.dma_semaphore, #tpu.memory_space<semaphore_mem>>, %arg13: memref<!tpu.dma_semaphore, #tpu.memory_space<semaphore_mem>>, %arg14: memref<!tpu.dma_semaphore, #tpu.memory_space<semaphore_mem>>, %arg15: memref<!tpu.dma_semaphore, #tpu.memory_space<semaphore_mem>>) attributes {dimension_semantics = [#tpu.dimension_semantics<core_parallel>, #tpu.dimension_semantics<subcore_parallel>], iteration_bounds = array<i64: 2, 16>, scalar_prefetch = 0 : i64, scratch_operands = 9 : i64, tpu.core_type = #tpu.core_type<sc_vector_subcore>, window_params = [{transform_indices = #map}, {transform_indices = #map1}, {transform_indices = #map1}, {transform_indices = #map}, {transform_indices = #map2}]} {
    %mul3A = arith.constant 2 : i32
    %mul3A_0 = arith.muli %arg1, %mul3A : i32
    %add3A = arith.addi %mul3A_0, %arg0 : i32
    %mul3A_1 = arith.constant 640 : i32
    %mul3A_2 = arith.muli %arg1, %mul3A_1 : i32
    %multiple_of3A = tpu.assume_multiple %mul3A_2, 8 : i32
    "tpu.region"() ({
      %run_scoped3A = tpu.sem_alloc : memref<!tpu.dma_semaphore, #tpu.memory_space<semaphore_mem>>
      %dma_start3A = arith.constant 0 : i32
      %dma_start3A_9 = tpu.memref_slice %arg11[%multiple_of3A, %dma_start3A] : memref<10240x128xf32, #tpu.memory_space<vmem_shared>> -> memref<640x128xf32, #tpu.memory_space<vmem_shared>>
      tpu.enqueue_dma source(%arg5 : memref<640x128xf32, #tpu.memory_space<hbm>>) target(%dma_start3A_9 : memref<640x128xf32, #tpu.memory_space<vmem_shared>>) target_semaphore(%run_scoped3A : memref<!tpu.dma_semaphore, #tpu.memory_space<semaphore_mem>>)
      %dma_wait3A = arith.constant 0 : i32
      %dma_wait3A_10 = tpu.memref_slice %arg11[%multiple_of3A, %dma_wait3A] : memref<10240x128xf32, #tpu.memory_space<vmem_shared>> -> memref<640x128xf32, #tpu.memory_space<vmem_shared>>
      tpu.wait_dma2 semaphore(%run_scoped3A : memref<!tpu.dma_semaphore, #tpu.memory_space<semaphore_mem>>) src(%arg5 : memref<640x128xf32, #tpu.memory_space<hbm>>) dst(%dma_wait3A_10 : memref<640x128xf32, #tpu.memory_space<vmem_shared>>)
      tpu.yield
    }) : () -> ()
    %barrier3A = arith.constant 0 : index
    tpu.barrier barrier_id(%barrier3A)
    %scan3A = arith.constant 0 : i32
    %scan3A_3 = arith.constant 0 : i32
    %scan3A_4 = arith.constant 5 : i32
    %scan3A_5 = arith.addi %scan3A_3, %scan3A_4 : i32
    %scan3A_6 = arith.constant 1 : i32
    scf.for %scan3A_9 = %scan3A_3 to %scan3A_5 step %scan3A_6  : i32 {
      "tpu.region"() ({
        %run_scoped3A = tpu.sem_alloc : memref<!tpu.dma_semaphore, #tpu.memory_space<semaphore_mem>>
        %dma_start3A_41 = arith.constant 0 : i32
        %dma_start3A_42 = arith.constant 0 : i32
        %dma_start3A_43 = tpu.memref_slice %arg3[%add3A, %scan3A_9, %dma_start3A_41, %dma_start3A_42] : memref<32x5x50x80xi32, #tpu.memory_space<hbm>> -> memref<1x1x50x80xi32, #tpu.memory_space<hbm>>
        %dma_start3A_44 = tpu.memref_squeeze %dma_start3A_43 : memref<1x1x50x80xi32, #tpu.memory_space<hbm>> -> memref<50x80xi32, #tpu.memory_space<hbm>>
        %dma_start3A_45 = arith.constant 0 : i32
        %dma_start3A_46 = arith.constant 0 : i32
        %dma_start3A_47 = tpu.memref_slice %arg3[%add3A, %scan3A_9, %dma_start3A_45, %dma_start3A_46] : memref<32x5x50x80xi32, #tpu.memory_space<hbm>> -> memref<1x1x50x80xi32, #tpu.memory_space<hbm>>
        %dma_start3A_48 = tpu.memref_squeeze %dma_start3A_47 : memref<1x1x50x80xi32, #tpu.memory_space<hbm>> -> memref<50x80xi32, #tpu.memory_space<hbm>>
        tpu.enqueue_dma source(%dma_start3A_48 : memref<50x80xi32, #tpu.memory_space<hbm>>) target(%arg7 : memref<50x80xi32, #tpu.memory_space<vmem>>) target_semaphore(%run_scoped3A : memref<!tpu.dma_semaphore, #tpu.memory_space<semaphore_mem>>)
        %dma_wait3A_49 = arith.constant 0 : i32
        %dma_wait3A_50 = arith.constant 0 : i32
        %dma_wait3A_51 = tpu.memref_slice %arg3[%add3A, %scan3A_9, %dma_wait3A_49, %dma_wait3A_50] : memref<32x5x50x80xi32, #tpu.memory_space<hbm>> -> memref<1x1x50x80xi32, #tpu.memory_space<hbm>>
        %dma_wait3A_52 = tpu.memref_squeeze %dma_wait3A_51 : memref<1x1x50x80xi32, #tpu.memory_space<hbm>> -> memref<50x80xi32, #tpu.memory_space<hbm>>
        %dma_wait3A_53 = arith.constant 0 : i32
        %dma_wait3A_54 = arith.constant 0 : i32
        %dma_wait3A_55 = tpu.memref_slice %arg3[%add3A, %scan3A_9, %dma_wait3A_53, %dma_wait3A_54] : memref<32x5x50x80xi32, #tpu.memory_space<hbm>> -> memref<1x1x50x80xi32, #tpu.memory_space<hbm>>
        %dma_wait3A_56 = tpu.memref_squeeze %dma_wait3A_55 : memref<1x1x50x80xi32, #tpu.memory_space<hbm>> -> memref<50x80xi32, #tpu.memory_space<hbm>>
        tpu.wait_dma2 semaphore(%run_scoped3A : memref<!tpu.dma_semaphore, #tpu.memory_space<semaphore_mem>>) src(%dma_wait3A_56 : memref<50x80xi32, #tpu.memory_space<hbm>>) dst(%arg7 : memref<50x80xi32, #tpu.memory_space<vmem>>)
        tpu.yield
      }) : () -> ()
      "tpu.region"() ({
        %run_scoped3A = tpu.sem_alloc : memref<!tpu.dma_semaphore, #tpu.memory_space<semaphore_mem>>
        %dma_start3A_41 = arith.constant 0 : i32
        %dma_start3A_42 = arith.constant 0 : i32
        %dma_start3A_43 = tpu.memref_slice %arg4[%add3A, %scan3A_9, %dma_start3A_41, %dma_start3A_42] : memref<32x5x50x80xi32, #tpu.memory_space<hbm>> -> memref<1x1x50x80xi32, #tpu.memory_space<hbm>>
        %dma_start3A_44 = tpu.memref_squeeze %dma_start3A_43 : memref<1x1x50x80xi32, #tpu.memory_space<hbm>> -> memref<50x80xi32, #tpu.memory_space<hbm>>
        %dma_start3A_45 = arith.constant 0 : i32
        %dma_start3A_46 = arith.constant 0 : i32
        %dma_start3A_47 = tpu.memref_slice %arg4[%add3A, %scan3A_9, %dma_start3A_45, %dma_start3A_46] : memref<32x5x50x80xi32, #tpu.memory_space<hbm>> -> memref<1x1x50x80xi32, #tpu.memory_space<hbm>>
        %dma_start3A_48 = tpu.memref_squeeze %dma_start3A_47 : memref<1x1x50x80xi32, #tpu.memory_space<hbm>> -> memref<50x80xi32, #tpu.memory_space<hbm>>
        tpu.enqueue_dma source(%dma_start3A_48 : memref<50x80xi32, #tpu.memory_space<hbm>>) target(%arg8 : memref<50x80xi32, #tpu.memory_space<vmem>>) target_semaphore(%run_scoped3A : memref<!tpu.dma_semaphore, #tpu.memory_space<semaphore_mem>>)
        %dma_wait3A_49 = arith.constant 0 : i32
        %dma_wait3A_50 = arith.constant 0 : i32
        %dma_wait3A_51 = tpu.memref_slice %arg4[%add3A, %scan3A_9, %dma_wait3A_49, %dma_wait3A_50] : memref<32x5x50x80xi32, #tpu.memory_space<hbm>> -> memref<1x1x50x80xi32, #tpu.memory_space<hbm>>
        %dma_wait3A_52 = tpu.memref_squeeze %dma_wait3A_51 : memref<1x1x50x80xi32, #tpu.memory_space<hbm>> -> memref<50x80xi32, #tpu.memory_space<hbm>>
        %dma_wait3A_53 = arith.constant 0 : i32
        %dma_wait3A_54 = arith.constant 0 : i32
        %dma_wait3A_55 = tpu.memref_slice %arg4[%add3A, %scan3A_9, %dma_wait3A_53, %dma_wait3A_54] : memref<32x5x50x80xi32, #tpu.memory_space<hbm>> -> memref<1x1x50x80xi32, #tpu.memory_space<hbm>>
        %dma_wait3A_56 = tpu.memref_squeeze %dma_wait3A_55 : memref<1x1x50x80xi32, #tpu.memory_space<hbm>> -> memref<50x80xi32, #tpu.memory_space<hbm>>
        tpu.wait_dma2 semaphore(%run_scoped3A : memref<!tpu.dma_semaphore, #tpu.memory_space<semaphore_mem>>) src(%dma_wait3A_56 : memref<50x80xi32, #tpu.memory_space<hbm>>) dst(%arg8 : memref<50x80xi32, #tpu.memory_space<vmem>>)
        tpu.yield
      }) : () -> ()
      %dma_start3A = arith.constant 0 : i32
      %dma_start3A_10 = arith.constant 0 : i32
      %dma_start3A_11 = tpu.memref_slice %arg7[%dma_start3A, %dma_start3A_10] : memref<50x80xi32, #tpu.memory_space<vmem>> -> memref<1x80xi32, #tpu.memory_space<vmem>>
      %dma_start3A_12 = tpu.memref_squeeze %dma_start3A_11 : memref<1x80xi32, #tpu.memory_space<vmem>> -> memref<80xi32, #tpu.memory_space<vmem>>
      %dma_start3A_13 = arith.constant 0 : i32
      %dma_start3A_14 = arith.constant 0 : i32
      %dma_start3A_15 = tpu.memref_slice %arg2[%dma_start3A_13, %dma_start3A_14] : memref<10000x128xf32, #tpu.memory_space<hbm>> -> memref<10000x128xf32, #tpu.memory_space<hbm>>
      tpu.enqueue_indirect_dma source(%dma_start3A_15 : memref<10000x128xf32, #tpu.memory_space<hbm>>) target(%arg9 : memref<80x128xf32, #tpu.memory_space<vmem>>) offsets(%dma_start3A_12 : memref<80xi32, #tpu.memory_space<vmem>>) semaphore(%arg12 : memref<!tpu.dma_semaphore, #tpu.memory_space<semaphore_mem>>)
      %dma_start3A_16 = arith.constant 1 : i32
      %dma_start3A_17 = arith.constant 0 : i32
      %dma_start3A_18 = tpu.memref_slice %arg7[%dma_start3A_16, %dma_start3A_17] : memref<50x80xi32, #tpu.memory_space<vmem>> -> memref<1x80xi32, #tpu.memory_space<vmem>>
      %dma_start3A_19 = tpu.memref_squeeze %dma_start3A_18 : memref<1x80xi32, #tpu.memory_space<vmem>> -> memref<80xi32, #tpu.memory_space<vmem>>
      %dma_start3A_20 = arith.constant 0 : i32
      %dma_start3A_21 = arith.constant 0 : i32
      %dma_start3A_22 = tpu.memref_slice %arg2[%dma_start3A_20, %dma_start3A_21] : memref<10000x128xf32, #tpu.memory_space<hbm>> -> memref<10000x128xf32, #tpu.memory_space<hbm>>
      tpu.enqueue_indirect_dma source(%dma_start3A_22 : memref<10000x128xf32, #tpu.memory_space<hbm>>) target(%arg10 : memref<80x128xf32, #tpu.memory_space<vmem>>) offsets(%dma_start3A_19 : memref<80xi32, #tpu.memory_space<vmem>>) semaphore(%arg13 : memref<!tpu.dma_semaphore, #tpu.memory_space<semaphore_mem>>)
      %scan3A_23 = arith.constant 0 : i32
      %scan3A_24 = arith.constant 25 : i32
      %scan3A_25 = arith.addi %scan3A_23, %scan3A_24 : i32
      %scan3A_26 = arith.constant 1 : i32
      scf.for %scan3A_41 = %scan3A_23 to %scan3A_25 step %scan3A_26  : i32 {
        %mul3A_42 = arith.constant 2 : i32
        %mul3A_43 = arith.muli %mul3A_42, %scan3A_41 : i32
        %add3A_44 = arith.constant 0 : i32
        %add3A_45 = arith.addi %mul3A_43, %add3A_44 : i32
        %dma_wait3A_46 = arith.constant 0 : i32
        %dma_wait3A_47 = tpu.memref_slice %arg7[%add3A_45, %dma_wait3A_46] : memref<50x80xi32, #tpu.memory_space<vmem>> -> memref<1x80xi32, #tpu.memory_space<vmem>>
        %dma_wait3A_48 = tpu.memref_squeeze %dma_wait3A_47 : memref<1x80xi32, #tpu.memory_space<vmem>> -> memref<80xi32, #tpu.memory_space<vmem>>
        %dma_wait3A_49 = arith.constant 0 : i32
        %dma_wait3A_50 = arith.constant 0 : i32
        %dma_wait3A_51 = tpu.memref_slice %arg2[%dma_wait3A_49, %dma_wait3A_50] : memref<10000x128xf32, #tpu.memory_space<hbm>> -> memref<10000x128xf32, #tpu.memory_space<hbm>>
        tpu.wait_indirect_dma semaphore(%arg12 : memref<!tpu.dma_semaphore, #tpu.memory_space<semaphore_mem>>) src(%dma_wait3A_51 : memref<10000x128xf32, #tpu.memory_space<hbm>>) dst(%arg9 : memref<80x128xf32, #tpu.memory_space<vmem>>)
        %add3A_52 = arith.constant 0 : i32
        %add3A_53 = arith.addi %mul3A_43, %add3A_52 : i32
        %dma_start3A_54 = arith.constant 0 : i32
        %dma_start3A_55 = tpu.memref_slice %arg8[%add3A_53, %dma_start3A_54] : memref<50x80xi32, #tpu.memory_space<vmem>> -> memref<1x80xi32, #tpu.memory_space<vmem>>
        %dma_start3A_56 = tpu.memref_squeeze %dma_start3A_55 : memref<1x80xi32, #tpu.memory_space<vmem>> -> memref<80xi32, #tpu.memory_space<vmem>>
        %dma_start3A_57 = arith.constant 0 : i32
        %dma_start3A_58 = arith.constant 0 : i32
        %dma_start3A_59 = tpu.memref_slice %arg11[%dma_start3A_57, %dma_start3A_58] : memref<10240x128xf32, #tpu.memory_space<vmem_shared>> -> memref<10240x128xf32, #tpu.memory_space<vmem_shared>>
        tpu.enqueue_indirect_dma source(%arg9 : memref<80x128xf32, #tpu.memory_space<vmem>>) target(%dma_start3A_59 : memref<10240x128xf32, #tpu.memory_space<vmem_shared>>) offsets(%dma_start3A_56 : memref<80xi32, #tpu.memory_space<vmem>>) semaphore(%arg14 : memref<!tpu.dma_semaphore, #tpu.memory_space<semaphore_mem>>) {add = true}
        %add3A_60 = arith.constant 1 : i32
        %add3A_61 = arith.addi %mul3A_43, %add3A_60 : i32
        %dma_wait3A_62 = arith.constant 0 : i32
        %dma_wait3A_63 = tpu.memref_slice %arg7[%add3A_61, %dma_wait3A_62] : memref<50x80xi32, #tpu.memory_space<vmem>> -> memref<1x80xi32, #tpu.memory_space<vmem>>
        %dma_wait3A_64 = tpu.memref_squeeze %dma_wait3A_63 : memref<1x80xi32, #tpu.memory_space<vmem>> -> memref<80xi32, #tpu.memory_space<vmem>>
        %dma_wait3A_65 = arith.constant 0 : i32
        %dma_wait3A_66 = arith.constant 0 : i32
        %dma_wait3A_67 = tpu.memref_slice %arg2[%dma_wait3A_65, %dma_wait3A_66] : memref<10000x128xf32, #tpu.memory_space<hbm>> -> memref<10000x128xf32, #tpu.memory_space<hbm>>
        tpu.wait_indirect_dma semaphore(%arg13 : memref<!tpu.dma_semaphore, #tpu.memory_space<semaphore_mem>>) src(%dma_wait3A_67 : memref<10000x128xf32, #tpu.memory_space<hbm>>) dst(%arg10 : memref<80x128xf32, #tpu.memory_space<vmem>>)
        %add3A_68 = arith.constant 1 : i32
        %add3A_69 = arith.addi %mul3A_43, %add3A_68 : i32
        %dma_start3A_70 = arith.constant 0 : i32
        %dma_start3A_71 = tpu.memref_slice %arg8[%add3A_69, %dma_start3A_70] : memref<50x80xi32, #tpu.memory_space<vmem>> -> memref<1x80xi32, #tpu.memory_space<vmem>>
        %dma_start3A_72 = tpu.memref_squeeze %dma_start3A_71 : memref<1x80xi32, #tpu.memory_space<vmem>> -> memref<80xi32, #tpu.memory_space<vmem>>
        %dma_start3A_73 = arith.constant 0 : i32
        %dma_start3A_74 = arith.constant 0 : i32
        %dma_start3A_75 = tpu.memref_slice %arg11[%dma_start3A_73, %dma_start3A_74] : memref<10240x128xf32, #tpu.memory_space<vmem_shared>> -> memref<10240x128xf32, #tpu.memory_space<vmem_shared>>
        tpu.enqueue_indirect_dma source(%arg10 : memref<80x128xf32, #tpu.memory_space<vmem>>) target(%dma_start3A_75 : memref<10240x128xf32, #tpu.memory_space<vmem_shared>>) offsets(%dma_start3A_72 : memref<80xi32, #tpu.memory_space<vmem>>) semaphore(%arg15 : memref<!tpu.dma_semaphore, #tpu.memory_space<semaphore_mem>>) {add = true}
        %add3A_76 = arith.constant 1 : i32
        %add3A_77 = arith.addi %scan3A_41, %add3A_76 : i32
        %lt3A = arith.constant 25 : i32
        %lt3A_78 = arith.cmpi slt, %add3A_77, %lt3A : i32
        %convert_element_type3A = arith.extui %lt3A_78 : i1 to i32
        %cond3A = arith.constant 0 : i32
        %cond3A_79 = arith.cmpi ne, %convert_element_type3A, %cond3A : i32
        scf.if %cond3A_79 {
          %add3A_87 = arith.constant 0 : i32
          %add3A_88 = arith.addi %mul3A_43, %add3A_87 : i32
          %dma_wait3A_89 = arith.constant 0 : i32
          %dma_wait3A_90 = tpu.memref_slice %arg8[%add3A_88, %dma_wait3A_89] : memref<50x80xi32, #tpu.memory_space<vmem>> -> memref<1x80xi32, #tpu.memory_space<vmem>>
          %dma_wait3A_91 = tpu.memref_squeeze %dma_wait3A_90 : memref<1x80xi32, #tpu.memory_space<vmem>> -> memref<80xi32, #tpu.memory_space<vmem>>
          %dma_wait3A_92 = arith.constant 0 : i32
          %dma_wait3A_93 = arith.constant 0 : i32
          %dma_wait3A_94 = tpu.memref_slice %arg11[%dma_wait3A_92, %dma_wait3A_93] : memref<10240x128xf32, #tpu.memory_space<vmem_shared>> -> memref<10240x128xf32, #tpu.memory_space<vmem_shared>>
          tpu.wait_indirect_dma semaphore(%arg14 : memref<!tpu.dma_semaphore, #tpu.memory_space<semaphore_mem>>) src(%arg9 : memref<80x128xf32, #tpu.memory_space<vmem>>) dst(%dma_wait3A_94 : memref<10240x128xf32, #tpu.memory_space<vmem_shared>>)
          %add3A_95 = arith.constant 2 : i32
          %add3A_96 = arith.addi %mul3A_43, %add3A_95 : i32
          %add3A_97 = arith.constant 0 : i32
          %add3A_98 = arith.addi %add3A_96, %add3A_97 : i32
          %dma_start3A_99 = arith.constant 0 : i32
          %dma_start3A_100 = tpu.memref_slice %arg7[%add3A_98, %dma_start3A_99] : memref<50x80xi32, #tpu.memory_space<vmem>> -> memref<1x80xi32, #tpu.memory_space<vmem>>
          %dma_start3A_101 = tpu.memref_squeeze %dma_start3A_100 : memref<1x80xi32, #tpu.memory_space<vmem>> -> memref<80xi32, #tpu.memory_space<vmem>>
          %dma_start3A_102 = arith.constant 0 : i32
          %dma_start3A_103 = arith.constant 0 : i32
          %dma_start3A_104 = tpu.memref_slice %arg2[%dma_start3A_102, %dma_start3A_103] : memref<10000x128xf32, #tpu.memory_space<hbm>> -> memref<10000x128xf32, #tpu.memory_space<hbm>>
          tpu.enqueue_indirect_dma source(%dma_start3A_104 : memref<10000x128xf32, #tpu.memory_space<hbm>>) target(%arg9 : memref<80x128xf32, #tpu.memory_space<vmem>>) offsets(%dma_start3A_101 : memref<80xi32, #tpu.memory_space<vmem>>) semaphore(%arg12 : memref<!tpu.dma_semaphore, #tpu.memory_space<semaphore_mem>>)
        } else {
        }
        %add3A_80 = arith.constant 1 : i32
        %add3A_81 = arith.addi %scan3A_41, %add3A_80 : i32
        %lt3A_82 = arith.constant 25 : i32
        %lt3A_83 = arith.cmpi slt, %add3A_81, %lt3A_82 : i32
        %convert_element_type3A_84 = arith.extui %lt3A_83 : i1 to i32
        %cond3A_85 = arith.constant 0 : i32
        %cond3A_86 = arith.cmpi ne, %convert_element_type3A_84, %cond3A_85 : i32
        scf.if %cond3A_86 {
          %add3A_87 = arith.constant 1 : i32
          %add3A_88 = arith.addi %mul3A_43, %add3A_87 : i32
          %dma_wait3A_89 = arith.constant 0 : i32
          %dma_wait3A_90 = tpu.memref_slice %arg8[%add3A_88, %dma_wait3A_89] : memref<50x80xi32, #tpu.memory_space<vmem>> -> memref<1x80xi32, #tpu.memory_space<vmem>>
          %dma_wait3A_91 = tpu.memref_squeeze %dma_wait3A_90 : memref<1x80xi32, #tpu.memory_space<vmem>> -> memref<80xi32, #tpu.memory_space<vmem>>
          %dma_wait3A_92 = arith.constant 0 : i32
          %dma_wait3A_93 = arith.constant 0 : i32
          %dma_wait3A_94 = tpu.memref_slice %arg11[%dma_wait3A_92, %dma_wait3A_93] : memref<10240x128xf32, #tpu.memory_space<vmem_shared>> -> memref<10240x128xf32, #tpu.memory_space<vmem_shared>>
          tpu.wait_indirect_dma semaphore(%arg15 : memref<!tpu.dma_semaphore, #tpu.memory_space<semaphore_mem>>) src(%arg10 : memref<80x128xf32, #tpu.memory_space<vmem>>) dst(%dma_wait3A_94 : memref<10240x128xf32, #tpu.memory_space<vmem_shared>>)
          %add3A_95 = arith.constant 2 : i32
          %add3A_96 = arith.addi %mul3A_43, %add3A_95 : i32
          %add3A_97 = arith.constant 1 : i32
          %add3A_98 = arith.addi %add3A_96, %add3A_97 : i32
          %dma_start3A_99 = arith.constant 0 : i32
          %dma_start3A_100 = tpu.memref_slice %arg7[%add3A_98, %dma_start3A_99] : memref<50x80xi32, #tpu.memory_space<vmem>> -> memref<1x80xi32, #tpu.memory_space<vmem>>
          %dma_start3A_101 = tpu.memref_squeeze %dma_start3A_100 : memref<1x80xi32, #tpu.memory_space<vmem>> -> memref<80xi32, #tpu.memory_space<vmem>>
          %dma_start3A_102 = arith.constant 0 : i32
          %dma_start3A_103 = arith.constant 0 : i32
          %dma_start3A_104 = tpu.memref_slice %arg2[%dma_start3A_102, %dma_start3A_103] : memref<10000x128xf32, #tpu.memory_space<hbm>> -> memref<10000x128xf32, #tpu.memory_space<hbm>>
          tpu.enqueue_indirect_dma source(%dma_start3A_104 : memref<10000x128xf32, #tpu.memory_space<hbm>>) target(%arg10 : memref<80x128xf32, #tpu.memory_space<vmem>>) offsets(%dma_start3A_101 : memref<80xi32, #tpu.memory_space<vmem>>) semaphore(%arg13 : memref<!tpu.dma_semaphore, #tpu.memory_space<semaphore_mem>>)
        } else {
        }
      }
      %scan3A_27 = arith.constant 25 : i32
      %dma_wait3A = arith.constant 48 : i32
      %dma_wait3A_28 = arith.constant 0 : i32
      %dma_wait3A_29 = tpu.memref_slice %arg8[%dma_wait3A, %dma_wait3A_28] : memref<50x80xi32, #tpu.memory_space<vmem>> -> memref<1x80xi32, #tpu.memory_space<vmem>>
      %dma_wait3A_30 = tpu.memref_squeeze %dma_wait3A_29 : memref<1x80xi32, #tpu.memory_space<vmem>> -> memref<80xi32, #tpu.memory_space<vmem>>
      %dma_wait3A_31 = arith.constant 0 : i32
      %dma_wait3A_32 = arith.constant 0 : i32
      %dma_wait3A_33 = tpu.memref_slice %arg11[%dma_wait3A_31, %dma_wait3A_32] : memref<10240x128xf32, #tpu.memory_space<vmem_shared>> -> memref<10240x128xf32, #tpu.memory_space<vmem_shared>>
      tpu.wait_indirect_dma semaphore(%arg14 : memref<!tpu.dma_semaphore, #tpu.memory_space<semaphore_mem>>) src(%arg9 : memref<80x128xf32, #tpu.memory_space<vmem>>) dst(%dma_wait3A_33 : memref<10240x128xf32, #tpu.memory_space<vmem_shared>>)
      %dma_wait3A_34 = arith.constant 49 : i32
      %dma_wait3A_35 = arith.constant 0 : i32
      %dma_wait3A_36 = tpu.memref_slice %arg8[%dma_wait3A_34, %dma_wait3A_35] : memref<50x80xi32, #tpu.memory_space<vmem>> -> memref<1x80xi32, #tpu.memory_space<vmem>>
      %dma_wait3A_37 = tpu.memref_squeeze %dma_wait3A_36 : memref<1x80xi32, #tpu.memory_space<vmem>> -> memref<80xi32, #tpu.memory_space<vmem>>
      %dma_wait3A_38 = arith.constant 0 : i32
      %dma_wait3A_39 = arith.constant 0 : i32
      %dma_wait3A_40 = tpu.memref_slice %arg11[%dma_wait3A_38, %dma_wait3A_39] : memref<10240x128xf32, #tpu.memory_space<vmem_shared>> -> memref<10240x128xf32, #tpu.memory_space<vmem_shared>>
      tpu.wait_indirect_dma semaphore(%arg15 : memref<!tpu.dma_semaphore, #tpu.memory_space<semaphore_mem>>) src(%arg10 : memref<80x128xf32, #tpu.memory_space<vmem>>) dst(%dma_wait3A_40 : memref<10240x128xf32, #tpu.memory_space<vmem_shared>>)
    }
    %scan3A_7 = arith.constant 5 : i32
    %barrier3A_8 = arith.constant 0 : index
    tpu.barrier barrier_id(%barrier3A_8)
    "tpu.region"() ({
      %run_scoped3A = tpu.sem_alloc : memref<!tpu.dma_semaphore, #tpu.memory_space<semaphore_mem>>
      %dma_start3A = arith.constant 0 : i32
      %dma_start3A_9 = tpu.memref_slice %arg6[%arg0, %multiple_of3A, %dma_start3A] : memref<2x10240x128xf32, #tpu.memory_space<hbm>> -> memref<1x640x128xf32, #tpu.memory_space<hbm>>
      %dma_start3A_10 = tpu.memref_squeeze %dma_start3A_9 : memref<1x640x128xf32, #tpu.memory_space<hbm>> -> memref<640x128xf32, #tpu.memory_space<hbm>>
      %dma_start3A_11 = arith.constant 0 : i32
      %dma_start3A_12 = tpu.memref_slice %arg11[%multiple_of3A, %dma_start3A_11] : memref<10240x128xf32, #tpu.memory_space<vmem_shared>> -> memref<640x128xf32, #tpu.memory_space<vmem_shared>>
      tpu.enqueue_dma source(%dma_start3A_12 : memref<640x128xf32, #tpu.memory_space<vmem_shared>>) target(%dma_start3A_10 : memref<640x128xf32, #tpu.memory_space<hbm>>) target_semaphore(%run_scoped3A : memref<!tpu.dma_semaphore, #tpu.memory_space<semaphore_mem>>)
      %dma_wait3A = arith.constant 0 : i32
      %dma_wait3A_13 = tpu.memref_slice %arg6[%arg0, %multiple_of3A, %dma_wait3A] : memref<2x10240x128xf32, #tpu.memory_space<hbm>> -> memref<1x640x128xf32, #tpu.memory_space<hbm>>
      %dma_wait3A_14 = tpu.memref_squeeze %dma_wait3A_13 : memref<1x640x128xf32, #tpu.memory_space<hbm>> -> memref<640x128xf32, #tpu.memory_space<hbm>>
      %dma_wait3A_15 = arith.constant 0 : i32
      %dma_wait3A_16 = tpu.memref_slice %arg11[%multiple_of3A, %dma_wait3A_15] : memref<10240x128xf32, #tpu.memory_space<vmem_shared>> -> memref<640x128xf32, #tpu.memory_space<vmem_shared>>
      tpu.wait_dma2 semaphore(%run_scoped3A : memref<!tpu.dma_semaphore, #tpu.memory_space<semaphore_mem>>) src(%dma_wait3A_16 : memref<640x128xf32, #tpu.memory_space<vmem_shared>>) dst(%dma_wait3A_14 : memref<640x128xf32, #tpu.memory_space<hbm>>)
      tpu.yield
    }) : () -> ()
    return
  }
}

#map = affine_map<(d0, d1) -> (0, 0)>
#map1 = affine_map<(d0, d1) -> (0, 0, 0, 0)>
#map2 = affine_map<(d0, d1) -> (0, 0, 0)>
module attributes {stable_mosaic.version = 14 : i64} {
  func.func @_aggregate(%arg0: i32, %arg1: i32, %arg2: memref<10000x128xf32, #tpu.memory_space<hbm>>, %arg3: memref<32x5x50x80xi32, #tpu.memory_space<hbm>>, %arg4: memref<32x5x50x80xi32, #tpu.memory_space<hbm>>, %arg5: memref<640x128xf32, #tpu.memory_space<hbm>>, %arg6: memref<2x10240x128xf32, #tpu.memory_space<hbm>>, %arg7: memref<50x80xi32, #tpu.memory_space<vmem>>, %arg8: memref<50x80xi32, #tpu.memory_space<vmem>>, %arg9: memref<80x128xf32, #tpu.memory_space<vmem>>, %arg10: memref<80x128xf32, #tpu.memory_space<vmem>>, %arg11: memref<10240x128xf32, #tpu.memory_space<vmem_shared>>, %arg12: memref<!tpu.dma_semaphore, #tpu.memory_space<semaphore_mem>>, %arg13: memref<!tpu.dma_semaphore, #tpu.memory_space<semaphore_mem>>, %arg14: memref<!tpu.dma_semaphore, #tpu.memory_space<semaphore_mem>>, %arg15: memref<!tpu.dma_semaphore, #tpu.memory_space<semaphore_mem>>) attributes {dimension_semantics = [#tpu.dimension_semantics<core_parallel>, #tpu.dimension_semantics<subcore_parallel>], iteration_bounds = array<i64: 2, 16>, scalar_prefetch = 0 : i64, scratch_operands = 9 : i64, tpu.core_type = #tpu.core_type<sc_vector_subcore>, window_params = [{transform_indices = #map}, {transform_indices = #map1}, {transform_indices = #map1}, {transform_indices = #map}, {transform_indices = #map2}]} {
    %mul3A = arith.constant 2 : i32
    %mul3A_0 = arith.muli %arg1, %mul3A : i32
    %add3A = arith.addi %mul3A_0, %arg0 : i32
    %mul3A_1 = arith.constant 640 : i32
    %mul3A_2 = arith.muli %arg1, %mul3A_1 : i32
    %multiple_of3A = tpu.assume_multiple %mul3A_2, 8 : i32
    "tpu.region"() ({
      %run_scoped3A = tpu.sem_alloc : memref<!tpu.dma_semaphore, #tpu.memory_space<semaphore_mem>>
      %dma_start3A = arith.constant 0 : i32
      %dma_start3A_9 = tpu.memref_slice %arg11[%multiple_of3A, %dma_start3A] : memref<10240x128xf32, #tpu.memory_space<vmem_shared>> -> memref<640x128xf32, #tpu.memory_space<vmem_shared>>
      tpu.enqueue_dma source(%arg5 : memref<640x128xf32, #tpu.memory_space<hbm>>) target(%dma_start3A_9 : memref<640x128xf32, #tpu.memory_space<vmem_shared>>) target_semaphore(%run_scoped3A : memref<!tpu.dma_semaphore, #tpu.memory_space<semaphore_mem>>)
      %dma_wait3A = arith.constant 0 : i32
      %dma_wait3A_10 = tpu.memref_slice %arg11[%multiple_of3A, %dma_wait3A] : memref<10240x128xf32, #tpu.memory_space<vmem_shared>> -> memref<640x128xf32, #tpu.memory_space<vmem_shared>>
      tpu.wait_dma2 semaphore(%run_scoped3A : memref<!tpu.dma_semaphore, #tpu.memory_space<semaphore_mem>>) src(%arg5 : memref<640x128xf32, #tpu.memory_space<hbm>>) dst(%dma_wait3A_10 : memref<640x128xf32, #tpu.memory_space<vmem_shared>>)
      tpu.yield
    }) : () -> ()
    %barrier3A = arith.constant 0 : index
    tpu.barrier barrier_id(%barrier3A)
    %scan3A = arith.constant 0 : i32
    %scan3A_3 = arith.constant 0 : i32
    %scan3A_4 = arith.constant 5 : i32
    %scan3A_5 = arith.addi %scan3A_3, %scan3A_4 : i32
    %scan3A_6 = arith.constant 1 : i32
    scf.for %scan3A_9 = %scan3A_3 to %scan3A_5 step %scan3A_6  : i32 {
      "tpu.region"() ({
        %run_scoped3A = tpu.sem_alloc : memref<!tpu.dma_semaphore, #tpu.memory_space<semaphore_mem>>
        %dma_start3A_41 = arith.constant 0 : i32
        %dma_start3A_42 = arith.constant 0 : i32
        %dma_start3A_43 = tpu.memref_slice %arg3[%add3A, %scan3A_9, %dma_start3A_41, %dma_start3A_42] : memref<32x5x50x80xi32, #tpu.memory_space<hbm>> -> memref<1x1x50x80xi32, #tpu.memory_space<hbm>>
        %dma_start3A_44 = tpu.memref_squeeze %dma_start3A_43 : memref<1x1x50x80xi32, #tpu.memory_space<hbm>> -> memref<50x80xi32, #tpu.memory_space<hbm>>
        %dma_start3A_45 = arith.constant 0 : i32
        %dma_start3A_46 = arith.constant 0 : i32
        %dma_start3A_47 = tpu.memref_slice %arg3[%add3A, %scan3A_9, %dma_start3A_45, %dma_start3A_46] : memref<32x5x50x80xi32, #tpu.memory_space<hbm>> -> memref<1x1x50x80xi32, #tpu.memory_space<hbm>>
        %dma_start3A_48 = tpu.memref_squeeze %dma_start3A_47 : memref<1x1x50x80xi32, #tpu.memory_space<hbm>> -> memref<50x80xi32, #tpu.memory_space<hbm>>
        tpu.enqueue_dma source(%dma_start3A_48 : memref<50x80xi32, #tpu.memory_space<hbm>>) target(%arg7 : memref<50x80xi32, #tpu.memory_space<vmem>>) target_semaphore(%run_scoped3A : memref<!tpu.dma_semaphore, #tpu.memory_space<semaphore_mem>>)
        %dma_wait3A_49 = arith.constant 0 : i32
        %dma_wait3A_50 = arith.constant 0 : i32
        %dma_wait3A_51 = tpu.memref_slice %arg3[%add3A, %scan3A_9, %dma_wait3A_49, %dma_wait3A_50] : memref<32x5x50x80xi32, #tpu.memory_space<hbm>> -> memref<1x1x50x80xi32, #tpu.memory_space<hbm>>
        %dma_wait3A_52 = tpu.memref_squeeze %dma_wait3A_51 : memref<1x1x50x80xi32, #tpu.memory_space<hbm>> -> memref<50x80xi32, #tpu.memory_space<hbm>>
        %dma_wait3A_53 = arith.constant 0 : i32
        %dma_wait3A_54 = arith.constant 0 : i32
        %dma_wait3A_55 = tpu.memref_slice %arg3[%add3A, %scan3A_9, %dma_wait3A_53, %dma_wait3A_54] : memref<32x5x50x80xi32, #tpu.memory_space<hbm>> -> memref<1x1x50x80xi32, #tpu.memory_space<hbm>>
        %dma_wait3A_56 = tpu.memref_squeeze %dma_wait3A_55 : memref<1x1x50x80xi32, #tpu.memory_space<hbm>> -> memref<50x80xi32, #tpu.memory_space<hbm>>
        tpu.wait_dma2 semaphore(%run_scoped3A : memref<!tpu.dma_semaphore, #tpu.memory_space<semaphore_mem>>) src(%dma_wait3A_56 : memref<50x80xi32, #tpu.memory_space<hbm>>) dst(%arg7 : memref<50x80xi32, #tpu.memory_space<vmem>>)
        tpu.yield
      }) : () -> ()
      "tpu.region"() ({
        %run_scoped3A = tpu.sem_alloc : memref<!tpu.dma_semaphore, #tpu.memory_space<semaphore_mem>>
        %dma_start3A_41 = arith.constant 0 : i32
        %dma_start3A_42 = arith.constant 0 : i32
        %dma_start3A_43 = tpu.memref_slice %arg4[%add3A, %scan3A_9, %dma_start3A_41, %dma_start3A_42] : memref<32x5x50x80xi32, #tpu.memory_space<hbm>> -> memref<1x1x50x80xi32, #tpu.memory_space<hbm>>
        %dma_start3A_44 = tpu.memref_squeeze %dma_start3A_43 : memref<1x1x50x80xi32, #tpu.memory_space<hbm>> -> memref<50x80xi32, #tpu.memory_space<hbm>>
        %dma_start3A_45 = arith.constant 0 : i32
        %dma_start3A_46 = arith.constant 0 : i32
        %dma_start3A_47 = tpu.memref_slice %arg4[%add3A, %scan3A_9, %dma_start3A_45, %dma_start3A_46] : memref<32x5x50x80xi32, #tpu.memory_space<hbm>> -> memref<1x1x50x80xi32, #tpu.memory_space<hbm>>
        %dma_start3A_48 = tpu.memref_squeeze %dma_start3A_47 : memref<1x1x50x80xi32, #tpu.memory_space<hbm>> -> memref<50x80xi32, #tpu.memory_space<hbm>>
        tpu.enqueue_dma source(%dma_start3A_48 : memref<50x80xi32, #tpu.memory_space<hbm>>) target(%arg8 : memref<50x80xi32, #tpu.memory_space<vmem>>) target_semaphore(%run_scoped3A : memref<!tpu.dma_semaphore, #tpu.memory_space<semaphore_mem>>)
        %dma_wait3A_49 = arith.constant 0 : i32
        %dma_wait3A_50 = arith.constant 0 : i32
        %dma_wait3A_51 = tpu.memref_slice %arg4[%add3A, %scan3A_9, %dma_wait3A_49, %dma_wait3A_50] : memref<32x5x50x80xi32, #tpu.memory_space<hbm>> -> memref<1x1x50x80xi32, #tpu.memory_space<hbm>>
        %dma_wait3A_52 = tpu.memref_squeeze %dma_wait3A_51 : memref<1x1x50x80xi32, #tpu.memory_space<hbm>> -> memref<50x80xi32, #tpu.memory_space<hbm>>
        %dma_wait3A_53 = arith.constant 0 : i32
        %dma_wait3A_54 = arith.constant 0 : i32
        %dma_wait3A_55 = tpu.memref_slice %arg4[%add3A, %scan3A_9, %dma_wait3A_53, %dma_wait3A_54] : memref<32x5x50x80xi32, #tpu.memory_space<hbm>> -> memref<1x1x50x80xi32, #tpu.memory_space<hbm>>
        %dma_wait3A_56 = tpu.memref_squeeze %dma_wait3A_55 : memref<1x1x50x80xi32, #tpu.memory_space<hbm>> -> memref<50x80xi32, #tpu.memory_space<hbm>>
        tpu.wait_dma2 semaphore(%run_scoped3A : memref<!tpu.dma_semaphore, #tpu.memory_space<semaphore_mem>>) src(%dma_wait3A_56 : memref<50x80xi32, #tpu.memory_space<hbm>>) dst(%arg8 : memref<50x80xi32, #tpu.memory_space<vmem>>)
        tpu.yield
      }) : () -> ()
      %dma_start3A = arith.constant 0 : i32
      %dma_start3A_10 = arith.constant 0 : i32
      %dma_start3A_11 = tpu.memref_slice %arg7[%dma_start3A, %dma_start3A_10] : memref<50x80xi32, #tpu.memory_space<vmem>> -> memref<1x80xi32, #tpu.memory_space<vmem>>
      %dma_start3A_12 = tpu.memref_squeeze %dma_start3A_11 : memref<1x80xi32, #tpu.memory_space<vmem>> -> memref<80xi32, #tpu.memory_space<vmem>>
      %dma_start3A_13 = arith.constant 0 : i32
      %dma_start3A_14 = arith.constant 0 : i32
      %dma_start3A_15 = tpu.memref_slice %arg2[%dma_start3A_13, %dma_start3A_14] : memref<10000x128xf32, #tpu.memory_space<hbm>> -> memref<10000x128xf32, #tpu.memory_space<hbm>>
      tpu.enqueue_indirect_dma source(%dma_start3A_15 : memref<10000x128xf32, #tpu.memory_space<hbm>>) target(%arg9 : memref<80x128xf32, #tpu.memory_space<vmem>>) offsets(%dma_start3A_12 : memref<80xi32, #tpu.memory_space<vmem>>) semaphore(%arg12 : memref<!tpu.dma_semaphore, #tpu.memory_space<semaphore_mem>>)
      %dma_start3A_16 = arith.constant 1 : i32
      %dma_start3A_17 = arith.constant 0 : i32
      %dma_start3A_18 = tpu.memref_slice %arg7[%dma_start3A_16, %dma_start3A_17] : memref<50x80xi32, #tpu.memory_space<vmem>> -> memref<1x80xi32, #tpu.memory_space<vmem>>
      %dma_start3A_19 = tpu.memref_squeeze %dma_start3A_18 : memref<1x80xi32, #tpu.memory_space<vmem>> -> memref<80xi32, #tpu.memory_space<vmem>>
      %dma_start3A_20 = arith.constant 0 : i32
      %dma_start3A_21 = arith.constant 0 : i32
      %dma_start3A_22 = tpu.memref_slice %arg2[%dma_start3A_20, %dma_start3A_21] : memref<10000x128xf32, #tpu.memory_space<hbm>> -> memref<10000x128xf32, #tpu.memory_space<hbm>>
      tpu.enqueue_indirect_dma source(%dma_start3A_22 : memref<10000x128xf32, #tpu.memory_space<hbm>>) target(%arg10 : memref<80x128xf32, #tpu.memory_space<vmem>>) offsets(%dma_start3A_19 : memref<80xi32, #tpu.memory_space<vmem>>) semaphore(%arg13 : memref<!tpu.dma_semaphore, #tpu.memory_space<semaphore_mem>>)
      %scan3A_23 = arith.constant 0 : i32
      %scan3A_24 = arith.constant 25 : i32
      %scan3A_25 = arith.addi %scan3A_23, %scan3A_24 : i32
      %scan3A_26 = arith.constant 1 : i32
      scf.for %scan3A_41 = %scan3A_23 to %scan3A_25 step %scan3A_26  : i32 {
        %mul3A_42 = arith.constant 2 : i32
        %mul3A_43 = arith.muli %mul3A_42, %scan3A_41 : i32
        %add3A_44 = arith.constant 0 : i32
        %add3A_45 = arith.addi %mul3A_43, %add3A_44 : i32
        %dma_wait3A_46 = arith.constant 0 : i32
        %dma_wait3A_47 = tpu.memref_slice %arg7[%add3A_45, %dma_wait3A_46] : memref<50x80xi32, #tpu.memory_space<vmem>> -> memref<1x80xi32, #tpu.memory_space<vmem>>
        %dma_wait3A_48 = tpu.memref_squeeze %dma_wait3A_47 : memref<1x80xi32, #tpu.memory_space<vmem>> -> memref<80xi32, #tpu.memory_space<vmem>>
        %dma_wait3A_49 = arith.constant 0 : i32
        %dma_wait3A_50 = arith.constant 0 : i32
        %dma_wait3A_51 = tpu.memref_slice %arg2[%dma_wait3A_49, %dma_wait3A_50] : memref<10000x128xf32, #tpu.memory_space<hbm>> -> memref<10000x128xf32, #tpu.memory_space<hbm>>
        tpu.wait_indirect_dma semaphore(%arg12 : memref<!tpu.dma_semaphore, #tpu.memory_space<semaphore_mem>>) src(%dma_wait3A_51 : memref<10000x128xf32, #tpu.memory_space<hbm>>) dst(%arg9 : memref<80x128xf32, #tpu.memory_space<vmem>>)
        %add3A_52 = arith.constant 0 : i32
        %add3A_53 = arith.addi %mul3A_43, %add3A_52 : i32
        %dma_start3A_54 = arith.constant 0 : i32
        %dma_start3A_55 = tpu.memref_slice %arg8[%add3A_53, %dma_start3A_54] : memref<50x80xi32, #tpu.memory_space<vmem>> -> memref<1x80xi32, #tpu.memory_space<vmem>>
        %dma_start3A_56 = tpu.memref_squeeze %dma_start3A_55 : memref<1x80xi32, #tpu.memory_space<vmem>> -> memref<80xi32, #tpu.memory_space<vmem>>
        %dma_start3A_57 = arith.constant 0 : i32
        %dma_start3A_58 = arith.constant 0 : i32
        %dma_start3A_59 = tpu.memref_slice %arg11[%dma_start3A_57, %dma_start3A_58] : memref<10240x128xf32, #tpu.memory_space<vmem_shared>> -> memref<10240x128xf32, #tpu.memory_space<vmem_shared>>
        tpu.enqueue_indirect_dma source(%arg9 : memref<80x128xf32, #tpu.memory_space<vmem>>) target(%dma_start3A_59 : memref<10240x128xf32, #tpu.memory_space<vmem_shared>>) offsets(%dma_start3A_56 : memref<80xi32, #tpu.memory_space<vmem>>) semaphore(%arg14 : memref<!tpu.dma_semaphore, #tpu.memory_space<semaphore_mem>>) {add = true}
        %add3A_60 = arith.constant 1 : i32
        %add3A_61 = arith.addi %mul3A_43, %add3A_60 : i32
        %dma_wait3A_62 = arith.constant 0 : i32
        %dma_wait3A_63 = tpu.memref_slice %arg7[%add3A_61, %dma_wait3A_62] : memref<50x80xi32, #tpu.memory_space<vmem>> -> memref<1x80xi32, #tpu.memory_space<vmem>>
        %dma_wait3A_64 = tpu.memref_squeeze %dma_wait3A_63 : memref<1x80xi32, #tpu.memory_space<vmem>> -> memref<80xi32, #tpu.memory_space<vmem>>
        %dma_wait3A_65 = arith.constant 0 : i32
        %dma_wait3A_66 = arith.constant 0 : i32
        %dma_wait3A_67 = tpu.memref_slice %arg2[%dma_wait3A_65, %dma_wait3A_66] : memref<10000x128xf32, #tpu.memory_space<hbm>> -> memref<10000x128xf32, #tpu.memory_space<hbm>>
        tpu.wait_indirect_dma semaphore(%arg13 : memref<!tpu.dma_semaphore, #tpu.memory_space<semaphore_mem>>) src(%dma_wait3A_67 : memref<10000x128xf32, #tpu.memory_space<hbm>>) dst(%arg10 : memref<80x128xf32, #tpu.memory_space<vmem>>)
        %add3A_68 = arith.constant 1 : i32
        %add3A_69 = arith.addi %mul3A_43, %add3A_68 : i32
        %dma_start3A_70 = arith.constant 0 : i32
        %dma_start3A_71 = tpu.memref_slice %arg8[%add3A_69, %dma_start3A_70] : memref<50x80xi32, #tpu.memory_space<vmem>> -> memref<1x80xi32, #tpu.memory_space<vmem>>
        %dma_start3A_72 = tpu.memref_squeeze %dma_start3A_71 : memref<1x80xi32, #tpu.memory_space<vmem>> -> memref<80xi32, #tpu.memory_space<vmem>>
        %dma_start3A_73 = arith.constant 0 : i32
        %dma_start3A_74 = arith.constant 0 : i32
        %dma_start3A_75 = tpu.memref_slice %arg11[%dma_start3A_73, %dma_start3A_74] : memref<10240x128xf32, #tpu.memory_space<vmem_shared>> -> memref<10240x128xf32, #tpu.memory_space<vmem_shared>>
        tpu.enqueue_indirect_dma source(%arg10 : memref<80x128xf32, #tpu.memory_space<vmem>>) target(%dma_start3A_75 : memref<10240x128xf32, #tpu.memory_space<vmem_shared>>) offsets(%dma_start3A_72 : memref<80xi32, #tpu.memory_space<vmem>>) semaphore(%arg15 : memref<!tpu.dma_semaphore, #tpu.memory_space<semaphore_mem>>) {add = true}
        %add3A_76 = arith.constant 1 : i32
        %add3A_77 = arith.addi %scan3A_41, %add3A_76 : i32
        %lt3A = arith.constant 25 : i32
        %lt3A_78 = arith.cmpi slt, %add3A_77, %lt3A : i32
        %convert_element_type3A = arith.extui %lt3A_78 : i1 to i32
        %cond3A = arith.constant 0 : i32
        %cond3A_79 = arith.cmpi ne, %convert_element_type3A, %cond3A : i32
        scf.if %cond3A_79 {
          %add3A_87 = arith.constant 0 : i32
          %add3A_88 = arith.addi %mul3A_43, %add3A_87 : i32
          %dma_wait3A_89 = arith.constant 0 : i32
          %dma_wait3A_90 = tpu.memref_slice %arg8[%add3A_88, %dma_wait3A_89] : memref<50x80xi32, #tpu.memory_space<vmem>> -> memref<1x80xi32, #tpu.memory_space<vmem>>
          %dma_wait3A_91 = tpu.memref_squeeze %dma_wait3A_90 : memref<1x80xi32, #tpu.memory_space<vmem>> -> memref<80xi32, #tpu.memory_space<vmem>>
          %dma_wait3A_92 = arith.constant 0 : i32
          %dma_wait3A_93 = arith.constant 0 : i32
          %dma_wait3A_94 = tpu.memref_slice %arg11[%dma_wait3A_92, %dma_wait3A_93] : memref<10240x128xf32, #tpu.memory_space<vmem_shared>> -> memref<10240x128xf32, #tpu.memory_space<vmem_shared>>
          tpu.wait_indirect_dma semaphore(%arg14 : memref<!tpu.dma_semaphore, #tpu.memory_space<semaphore_mem>>) src(%arg9 : memref<80x128xf32, #tpu.memory_space<vmem>>) dst(%dma_wait3A_94 : memref<10240x128xf32, #tpu.memory_space<vmem_shared>>)
          %add3A_95 = arith.constant 2 : i32
          %add3A_96 = arith.addi %mul3A_43, %add3A_95 : i32
          %add3A_97 = arith.constant 0 : i32
          %add3A_98 = arith.addi %add3A_96, %add3A_97 : i32
          %dma_start3A_99 = arith.constant 0 : i32
          %dma_start3A_100 = tpu.memref_slice %arg7[%add3A_98, %dma_start3A_99] : memref<50x80xi32, #tpu.memory_space<vmem>> -> memref<1x80xi32, #tpu.memory_space<vmem>>
          %dma_start3A_101 = tpu.memref_squeeze %dma_start3A_100 : memref<1x80xi32, #tpu.memory_space<vmem>> -> memref<80xi32, #tpu.memory_space<vmem>>
          %dma_start3A_102 = arith.constant 0 : i32
          %dma_start3A_103 = arith.constant 0 : i32
          %dma_start3A_104 = tpu.memref_slice %arg2[%dma_start3A_102, %dma_start3A_103] : memref<10000x128xf32, #tpu.memory_space<hbm>> -> memref<10000x128xf32, #tpu.memory_space<hbm>>
          tpu.enqueue_indirect_dma source(%dma_start3A_104 : memref<10000x128xf32, #tpu.memory_space<hbm>>) target(%arg9 : memref<80x128xf32, #tpu.memory_space<vmem>>) offsets(%dma_start3A_101 : memref<80xi32, #tpu.memory_space<vmem>>) semaphore(%arg12 : memref<!tpu.dma_semaphore, #tpu.memory_space<semaphore_mem>>)
        } else {
        }
        %add3A_80 = arith.constant 1 : i32
        %add3A_81 = arith.addi %scan3A_41, %add3A_80 : i32
        %lt3A_82 = arith.constant 25 : i32
        %lt3A_83 = arith.cmpi slt, %add3A_81, %lt3A_82 : i32
        %convert_element_type3A_84 = arith.extui %lt3A_83 : i1 to i32
        %cond3A_85 = arith.constant 0 : i32
        %cond3A_86 = arith.cmpi ne, %convert_element_type3A_84, %cond3A_85 : i32
        scf.if %cond3A_86 {
          %add3A_87 = arith.constant 1 : i32
          %add3A_88 = arith.addi %mul3A_43, %add3A_87 : i32
          %dma_wait3A_89 = arith.constant 0 : i32
          %dma_wait3A_90 = tpu.memref_slice %arg8[%add3A_88, %dma_wait3A_89] : memref<50x80xi32, #tpu.memory_space<vmem>> -> memref<1x80xi32, #tpu.memory_space<vmem>>
          %dma_wait3A_91 = tpu.memref_squeeze %dma_wait3A_90 : memref<1x80xi32, #tpu.memory_space<vmem>> -> memref<80xi32, #tpu.memory_space<vmem>>
          %dma_wait3A_92 = arith.constant 0 : i32
          %dma_wait3A_93 = arith.constant 0 : i32
          %dma_wait3A_94 = tpu.memref_slice %arg11[%dma_wait3A_92, %dma_wait3A_93] : memref<10240x128xf32, #tpu.memory_space<vmem_shared>> -> memref<10240x128xf32, #tpu.memory_space<vmem_shared>>
          tpu.wait_indirect_dma semaphore(%arg15 : memref<!tpu.dma_semaphore, #tpu.memory_space<semaphore_mem>>) src(%arg10 : memref<80x128xf32, #tpu.memory_space<vmem>>) dst(%dma_wait3A_94 : memref<10240x128xf32, #tpu.memory_space<vmem_shared>>)
          %add3A_95 = arith.constant 2 : i32
          %add3A_96 = arith.addi %mul3A_43, %add3A_95 : i32
          %add3A_97 = arith.constant 1 : i32
          %add3A_98 = arith.addi %add3A_96, %add3A_97 : i32
          %dma_start3A_99 = arith.constant 0 : i32
          %dma_start3A_100 = tpu.memref_slice %arg7[%add3A_98, %dma_start3A_99] : memref<50x80xi32, #tpu.memory_space<vmem>> -> memref<1x80xi32, #tpu.memory_space<vmem>>
          %dma_start3A_101 = tpu.memref_squeeze %dma_start3A_100 : memref<1x80xi32, #tpu.memory_space<vmem>> -> memref<80xi32, #tpu.memory_space<vmem>>
          %dma_start3A_102 = arith.constant 0 : i32
          %dma_start3A_103 = arith.constant 0 : i32
          %dma_start3A_104 = tpu.memref_slice %arg2[%dma_start3A_102, %dma_start3A_103] : memref<10000x128xf32, #tpu.memory_space<hbm>> -> memref<10000x128xf32, #tpu.memory_space<hbm>>
          tpu.enqueue_indirect_dma source(%dma_start3A_104 : memref<10000x128xf32, #tpu.memory_space<hbm>>) target(%arg10 : memref<80x128xf32, #tpu.memory_space<vmem>>) offsets(%dma_start3A_101 : memref<80xi32, #tpu.memory_space<vmem>>) semaphore(%arg13 : memref<!tpu.dma_semaphore, #tpu.memory_space<semaphore_mem>>)
        } else {
        }
      }
      %scan3A_27 = arith.constant 25 : i32
      %dma_wait3A = arith.constant 48 : i32
      %dma_wait3A_28 = arith.constant 0 : i32
      %dma_wait3A_29 = tpu.memref_slice %arg8[%dma_wait3A, %dma_wait3A_28] : memref<50x80xi32, #tpu.memory_space<vmem>> -> memref<1x80xi32, #tpu.memory_space<vmem>>
      %dma_wait3A_30 = tpu.memref_squeeze %dma_wait3A_29 : memref<1x80xi32, #tpu.memory_space<vmem>> -> memref<80xi32, #tpu.memory_space<vmem>>
      %dma_wait3A_31 = arith.constant 0 : i32
      %dma_wait3A_32 = arith.constant 0 : i32
      %dma_wait3A_33 = tpu.memref_slice %arg11[%dma_wait3A_31, %dma_wait3A_32] : memref<10240x128xf32, #tpu.memory_space<vmem_shared>> -> memref<10240x128xf32, #tpu.memory_space<vmem_shared>>
      tpu.wait_indirect_dma semaphore(%arg14 : memref<!tpu.dma_semaphore, #tpu.memory_space<semaphore_mem>>) src(%arg9 : memref<80x128xf32, #tpu.memory_space<vmem>>) dst(%dma_wait3A_33 : memref<10240x128xf32, #tpu.memory_space<vmem_shared>>)
      %dma_wait3A_34 = arith.constant 49 : i32
      %dma_wait3A_35 = arith.constant 0 : i32
      %dma_wait3A_36 = tpu.memref_slice %arg8[%dma_wait3A_34, %dma_wait3A_35] : memref<50x80xi32, #tpu.memory_space<vmem>> -> memref<1x80xi32, #tpu.memory_space<vmem>>
      %dma_wait3A_37 = tpu.memref_squeeze %dma_wait3A_36 : memref<1x80xi32, #tpu.memory_space<vmem>> -> memref<80xi32, #tpu.memory_space<vmem>>
      %dma_wait3A_38 = arith.constant 0 : i32
      %dma_wait3A_39 = arith.constant 0 : i32
      %dma_wait3A_40 = tpu.memref_slice %arg11[%dma_wait3A_38, %dma_wait3A_39] : memref<10240x128xf32, #tpu.memory_space<vmem_shared>> -> memref<10240x128xf32, #tpu.memory_space<vmem_shared>>
      tpu.wait_indirect_dma semaphore(%arg15 : memref<!tpu.dma_semaphore, #tpu.memory_space<semaphore_mem>>) src(%arg10 : memref<80x128xf32, #tpu.memory_space<vmem>>) dst(%dma_wait3A_40 : memref<10240x128xf32, #tpu.memory_space<vmem_shared>>)
    }
    %scan3A_7 = arith.constant 5 : i32
    %barrier3A_8 = arith.constant 0 : index
    tpu.barrier barrier_id(%barrier3A_8)
    "tpu.region"() ({
      %run_scoped3A = tpu.sem_alloc : memref<!tpu.dma_semaphore, #tpu.memory_space<semaphore_mem>>
      %dma_start3A = arith.constant 0 : i32
      %dma_start3A_9 = tpu.memref_slice %arg6[%arg0, %multiple_of3A, %dma_start3A] : memref<2x10240x128xf32, #tpu.memory_space<hbm>> -> memref<1x640x128xf32, #tpu.memory_space<hbm>>
      %dma_start3A_10 = tpu.memref_squeeze %dma_start3A_9 : memref<1x640x128xf32, #tpu.memory_space<hbm>> -> memref<640x128xf32, #tpu.memory_space<hbm>>
      %dma_start3A_11 = arith.constant 0 : i32
      %dma_start3A_12 = tpu.memref_slice %arg11[%multiple_of3A, %dma_start3A_11] : memref<10240x128xf32, #tpu.memory_space<vmem_shared>> -> memref<640x128xf32, #tpu.memory_space<vmem_shared>>
      tpu.enqueue_dma source(%dma_start3A_12 : memref<640x128xf32, #tpu.memory_space<vmem_shared>>) target(%dma_start3A_10 : memref<640x128xf32, #tpu.memory_space<hbm>>) target_semaphore(%run_scoped3A : memref<!tpu.dma_semaphore, #tpu.memory_space<semaphore_mem>>)
      %dma_wait3A = arith.constant 0 : i32
      %dma_wait3A_13 = tpu.memref_slice %arg6[%arg0, %multiple_of3A, %dma_wait3A] : memref<2x10240x128xf32, #tpu.memory_space<hbm>> -> memref<1x640x128xf32, #tpu.memory_space<hbm>>
      %dma_wait3A_14 = tpu.memref_squeeze %dma_wait3A_13 : memref<1x640x128xf32, #tpu.memory_space<hbm>> -> memref<640x128xf32, #tpu.memory_space<hbm>>
      %dma_wait3A_15 = arith.constant 0 : i32
      %dma_wait3A_16 = tpu.memref_slice %arg11[%multiple_of3A, %dma_wait3A_15] : memref<10240x128xf32, #tpu.memory_space<vmem_shared>> -> memref<640x128xf32, #tpu.memory_space<vmem_shared>>
      tpu.wait_dma2 semaphore(%run_scoped3A : memref<!tpu.dma_semaphore, #tpu.memory_space<semaphore_mem>>) src(%dma_wait3A_16 : memref<640x128xf32, #tpu.memory_space<vmem_shared>>) dst(%dma_wait3A_14 : memref<640x128xf32, #tpu.memory_space<hbm>>)
      tpu.yield
    }) : () -> ()
    return
  }
}

module attributes {stable_mosaic.version = 14 : i64} {
  func.func @_matmul_body(%arg0: i32, %arg1: memref<2x400x128xf32, #tpu.memory_space<vmem>>, %arg2: memref<128x128xf32, #tpu.memory_space<vmem>>, %arg3: memref<1x128xf32, #tpu.memory_space<vmem>>, %arg4: memref<400x128xf32, #tpu.memory_space<vmem>>) attributes {dimension_semantics = [#tpu.dimension_semantics<arbitrary>], iteration_bounds = array<i64: 25>, scalar_prefetch = 0 : i64, scratch_operands = 0 : i64, tpu.core_type = #tpu.core_type<tc>, window_params = [{transform_indices = @transform_0, window_bounds = array<i64: 2, 400, 128>}, {pipeline_mode = #tpu.pipeline_mode<synchronous>, transform_indices = @transform_1, window_bounds = array<i64: 128, 128>}, {pipeline_mode = #tpu.pipeline_mode<synchronous>, transform_indices = @transform_2, window_bounds = array<i64: 1, 128>}, {transform_indices = @transform_3, window_bounds = array<i64: 400, 128>}]} {
    %get3A = arith.constant 0 : index
    %get3A_0 = arith.constant 0 : index
    %get3A_1 = arith.constant 0 : index
    %get3A_2 = vector.load %arg1[%get3A, %get3A_0, %get3A_1] : memref<2x400x128xf32, #tpu.memory_space<vmem>>, vector<1x400x128xf32>
    %get3A_3 = vector.shape_cast %get3A_2 : vector<1x400x128xf32> to vector<400x128xf32>
    %get3A_4 = arith.constant 1 : index
    %get3A_5 = arith.constant 0 : index
    %get3A_6 = arith.constant 0 : index
    %get3A_7 = vector.load %arg1[%get3A_4, %get3A_5, %get3A_6] : memref<2x400x128xf32, #tpu.memory_space<vmem>>, vector<1x400x128xf32>
    %get3A_8 = vector.shape_cast %get3A_7 : vector<1x400x128xf32> to vector<400x128xf32>
    %add3A = arith.addf %get3A_3, %get3A_8 : vector<400x128xf32>
    %get3A_9 = arith.constant 0 : index
    %get3A_10 = arith.constant 0 : index
    %get3A_11 = vector.load %arg2[%get3A_9, %get3A_10] : memref<128x128xf32, #tpu.memory_space<vmem>>, vector<128x128xf32>
    %dot_general3A = arith.constant dense<0.000000e+00> : vector<400x128xf32>
    %dot_general3A_12 = tpu.matmul %add3A, %get3A_11, %dot_general3A {dimension_numbers = #tpu.dot_dimension_numbers<[1], [0], [0], [1], [0, 0, 1, 1], [], []>, transpose_lhs_hint = false} : vector<400x128xf32>, vector<128x128xf32>, vector<400x128xf32> -> vector<400x128xf32>
    %get3A_13 = arith.constant 0 : index
    %get3A_14 = arith.constant 0 : index
    %get3A_15 = vector.load %arg3[%get3A_13, %get3A_14] : memref<1x128xf32, #tpu.memory_space<vmem>>, vector<1x128xf32>
    %add3A_16 = vector.broadcast %get3A_15 : vector<1x128xf32> to vector<400x128xf32>
    %add3A_17 = arith.addf %dot_general3A_12, %add3A_16 : vector<400x128xf32>
    %swap3A = arith.constant 0 : index
    %swap3A_18 = arith.constant 0 : index
    %swap3A_19 = vector.load %arg4[%swap3A, %swap3A_18] : memref<400x128xf32, #tpu.memory_space<vmem>>, vector<400x128xf32>
    tpu.vector_store %arg4[%swap3A, %swap3A_18], %add3A_17 {strides = array<i32>} : memref<400x128xf32, #tpu.memory_space<vmem>>, vector<400x128xf32>,
    return
  }
  func.func @transform_0(%arg0: i32) -> (i32, i32, i32) {
    %c0_i32 = arith.constant 0 : i32
    %c0_i32_0 = arith.constant 0 : i32
    %c0_i32_1 = arith.constant 0 : i32
    return %c0_i32, %arg0, %c0_i32_0 : i32, i32, i32
  }
  func.func @transform_1(%arg0: i32) -> (i32, i32) {
    %c0_i32 = arith.constant 0 : i32
    %c0_i32_0 = arith.constant 0 : i32
    %c0_i32_1 = arith.constant 0 : i32
    return %c0_i32, %c0_i32_0 : i32, i32
  }
  func.func @transform_2(%arg0: i32) -> (i32, i32) {
    %c0_i32 = arith.constant 0 : i32
    %c0_i32_0 = arith.constant 0 : i32
    %c0_i32_1 = arith.constant 0 : i32
    return %c0_i32, %c0_i32_0 : i32, i32
  }
  func.func @transform_3(%arg0: i32) -> (i32, i32) {
    %c0_i32 = arith.constant 0 : i32
    %c0_i32_0 = arith.constant 0 : i32
    return %arg0, %c0_i32 : i32, i32
  }
}

module attributes {stable_mosaic.version = 14 : i64} {
  func.func @body(%arg0: i32, %arg1: memref<2x400x128xf32, #tpu.memory_space<vmem>>, %arg2: memref<128x128xf32, #tpu.memory_space<vmem>>, %arg3: memref<128x128xf32, #tpu.memory_space<vmem>>, %arg4: memref<2x128xf32, #tpu.memory_space<vmem>>, %arg5: memref<400x128xf32, #tpu.memory_space<vmem>>) attributes {dimension_semantics = [#tpu.dimension_semantics<arbitrary>], iteration_bounds = array<i64: 25>, scalar_prefetch = 0 : i64, scratch_operands = 0 : i64, tpu.core_type = #tpu.core_type<tc>, window_params = [{transform_indices = @transform_0, window_bounds = array<i64: 2, 400, 128>}, {pipeline_mode = #tpu.pipeline_mode<synchronous>, transform_indices = @transform_1, window_bounds = array<i64: 128, 128>}, {pipeline_mode = #tpu.pipeline_mode<synchronous>, transform_indices = @transform_2, window_bounds = array<i64: 128, 128>}, {pipeline_mode = #tpu.pipeline_mode<synchronous>, transform_indices = @transform_3, window_bounds = array<i64: 2, 128>}, {transform_indices = @transform_4, window_bounds = array<i64: 400, 128>}]} {
    %get3A = arith.constant 0 : index
    %get3A_0 = arith.constant 0 : index
    %get3A_1 = arith.constant 0 : index
    %get3A_2 = vector.load %arg1[%get3A, %get3A_0, %get3A_1] : memref<2x400x128xf32, #tpu.memory_space<vmem>>, vector<1x400x128xf32>
    %get3A_3 = vector.shape_cast %get3A_2 : vector<1x400x128xf32> to vector<400x128xf32>
    %get3A_4 = arith.constant 1 : index
    %get3A_5 = arith.constant 0 : index
    %get3A_6 = arith.constant 0 : index
    %get3A_7 = vector.load %arg1[%get3A_4, %get3A_5, %get3A_6] : memref<2x400x128xf32, #tpu.memory_space<vmem>>, vector<1x400x128xf32>
    %get3A_8 = vector.shape_cast %get3A_7 : vector<1x400x128xf32> to vector<400x128xf32>
    %add3A = arith.addf %get3A_3, %get3A_8 : vector<400x128xf32>
    %get3A_9 = arith.constant 0 : index
    %get3A_10 = arith.constant 0 : index
    %get3A_11 = vector.load %arg2[%get3A_9, %get3A_10] : memref<128x128xf32, #tpu.memory_space<vmem>>, vector<128x128xf32>
    %get3A_12 = arith.constant 0 : index
    %get3A_13 = arith.constant 0 : index
    %get3A_14 = vector.load %arg3[%get3A_12, %get3A_13] : memref<128x128xf32, #tpu.memory_space<vmem>>, vector<128x128xf32>
    %dot_general3A = arith.constant dense<0.000000e+00> : vector<128x128xf32>
    %dot_general3A_15 = tpu.matmul %get3A_11, %get3A_14, %dot_general3A {dimension_numbers = #tpu.dot_dimension_numbers<[1], [0], [0], [1], [0, 0, 1, 1], [], []>, transpose_lhs_hint = false} : vector<128x128xf32>, vector<128x128xf32>, vector<128x128xf32> -> vector<128x128xf32>
    %get3A_16 = arith.constant 0 : index
    %get3A_17 = arith.constant 0 : index
    %get3A_18 = vector.load %arg4[%get3A_16, %get3A_17] : memref<2x128xf32, #tpu.memory_space<vmem>>, vector<1x128xf32>
    %get3A_19 = arith.constant 0 : index
    %get3A_20 = arith.constant 0 : index
    %get3A_21 = vector.load %arg3[%get3A_19, %get3A_20] : memref<128x128xf32, #tpu.memory_space<vmem>>, vector<128x128xf32>
    %dot_general3A_22 = arith.constant dense<0.000000e+00> : vector<1x128xf32>
    %dot_general3A_23 = tpu.matmul %get3A_18, %get3A_21, %dot_general3A_22 {dimension_numbers = #tpu.dot_dimension_numbers<[1], [0], [0], [1], [0, 0, 1, 1], [], []>, transpose_lhs_hint = false} : vector<1x128xf32>, vector<128x128xf32>, vector<1x128xf32> -> vector<1x128xf32>
    %get3A_24 = arith.constant 1 : index
    %get3A_25 = arith.constant 0 : index
    %get3A_26 = vector.load %arg4[%get3A_24, %get3A_25] : memref<2x128xf32, #tpu.memory_space<vmem>>, vector<1x128xf32>
    %add3A_27 = arith.addf %dot_general3A_23, %get3A_26 : vector<1x128xf32>
    %dot_general3A_28 = arith.constant dense<0.000000e+00> : vector<400x128xf32>
    %dot_general3A_29 = tpu.matmul %add3A, %dot_general3A_15, %dot_general3A_28 {dimension_numbers = #tpu.dot_dimension_numbers<[1], [0], [0], [1], [0, 0, 1, 1], [], []>, transpose_lhs_hint = false} : vector<400x128xf32>, vector<128x128xf32>, vector<400x128xf32> -> vector<400x128xf32>
    %add3A_30 = vector.broadcast %add3A_27 : vector<1x128xf32> to vector<400x128xf32>
    %add3A_31 = arith.addf %dot_general3A_29, %add3A_30 : vector<400x128xf32>
    %swap3A = arith.constant 0 : index
    %swap3A_32 = arith.constant 0 : index
    %swap3A_33 = vector.load %arg5[%swap3A, %swap3A_32] : memref<400x128xf32, #tpu.memory_space<vmem>>, vector<400x128xf32>
    tpu.vector_store %arg5[%swap3A, %swap3A_32], %add3A_31 {strides = array<i32>} : memref<400x128xf32, #tpu.memory_space<vmem>>, vector<400x128xf32>,
    return
  }
  func.func @transform_0(%arg0: i32) -> (i32, i32, i32) {
    %c0_i32 = arith.constant 0 : i32
    %c0_i32_0 = arith.constant 0 : i32
    %c0_i32_1 = arith.constant 0 : i32
    return %c0_i32, %arg0, %c0_i32_0 : i32, i32, i32
  }
  func.func @transform_1(%arg0: i32) -> (i32, i32) {
    %c0_i32 = arith.constant 0 : i32
    %c0_i32_0 = arith.constant 0 : i32
    %c0_i32_1 = arith.constant 0 : i32
    return %c0_i32, %c0_i32_0 : i32, i32
  }
  func.func @transform_2(%arg0: i32) -> (i32, i32) {
    %c0_i32 = arith.constant 0 : i32
    %c0_i32_0 = arith.constant 0 : i32
    %c0_i32_1 = arith.constant 0 : i32
    return %c0_i32, %c0_i32_0 : i32, i32
  }
  func.func @transform_3(%arg0: i32) -> (i32, i32) {
    %c0_i32 = arith.constant 0 : i32
    %c0_i32_0 = arith.constant 0 : i32
    %c0_i32_1 = arith.constant 0 : i32
    return %c0_i32, %c0_i32_0 : i32, i32
  }
  func.func @transform_4(%arg0: i32) -> (i32, i32) {
    %c0_i32 = arith.constant 0 : i32
    %c0_i32_0 = arith.constant 0 : i32
    return %arg0, %c0_i32 : i32, i32
  }
}

</mosaic_0001>

<sc_bundles>
// kernel: kernel.11.cloned.1.call-start
scs
__scs_entry_jumppad:
0x0: {  	(pc) =	sbr.rel $0x88, $3  }
0x1: {  	(tag) =	ssettag $0x0;
	lr =	simm.s32 $0x1  }
0x2: {  	[smem:$0x3F97] =	sst lr;
	_ =	strace $0xD0000000  }
0x3: {  	_ = 	snop  }
0x4: {  	_ = 	snop  }
0x5: {  	_ = 	snop  }
0x6: {  	_ = 	snop  }
0x7: {  	_ = 	snop  }
__scs_overlays_trampoline_lowered:
0x8: {  	[smem:$0x3FA6] =	sst s0  }
0x9: {  	[smem:$0x3FA7] =	sst s1  }
0xa: {  	[smem:$0x3FA8] =	sst s2  }
0xb: {  	[smem:$0x3FA9] =	sst s3  }
0xc: {  	[smem:$0x3FAA] =	sst s4  }
0xd: {  	[smem:$0x3FAB] =	sst s5  }
0xe: {  	[smem:$0x3FAC] =	sst s6  }
0xf: {  	[smem:$0x3FAD] =	sst s7  }
0x10: {  	[smem:$0x3FAE] =	sst s8  }
0x11: {  	[smem:$0x3FAF] =	sst s9;
	s0 =	simm.s32 @!p0 $0x0  }
0x12: {  	s1 =	sld [smem:$0x3F95];
	s0 =	simm.s32 @p0 $0x1  }
0x13: {  	[smem:$0x3FB0] =	sst s0;
	s0 =	simm.s32 @!p1 $0x0  }
0x14: {  	s2 =	sld [smem:$0x3F94];
	s0 =	simm.s32 @p1 $0x1  }
0x15: {  	[smem:$0x3FB1] =	sst s0;
	s0 =	simm.s32 @!p2 $0x0  }
0x16: {  	s3 =	sld [smem:$0x3FDB];
	s0 =	simm.s32 @p2 $0x1  }
0x17: {  	s4 =	simm.s32 $0x1BF5;
	[smem:$0x3FB3] =	sst s0  }
0x18: {  	s0 =	sld [smem:$0x3F96];
	_ =	swait.ge [sflag:s4], $0x0  }
0x19: {  	s7 =	sld [smem:$0x3F97]  }
0x1a: {  	s8 =	sadd.s32 $0xFFFFE003, lr  }
0x1b: {  	s9 =	sadd.s32 $0xFFFFFEF7, lr;
	s5 =	simm.s32 $0xFFFFFFFF;
	p2 =	slt.u32 s8, $0xFFFFF086  }
0x1c: {  	p1 =	slt.u32 s9, $0xF7A;
	s5 =	simm.s32 @!p2 $0x0  }
0x1d: {  	s5 =	simm.s32 @p1 $0x1;
	p0 =	seq.s32 s7, s2  }
0x1e: {  	s7 =	smul.u32 @!p0 $0xF7A, s2;
	p2 =	seq.s32 @!p0 s5, $0x0  }
0x1f: {  	s9 =	smul.u32 $0xF7A, s1;
	s8 =	simm.s32 @!p0 $0x1BF5;
	p2 =	por !p2, p0  }
0x20: {  	[sflag:s8] =	ssyncset.s32 @!p0 $0xFFFFF086;
	s6 =	sadd.s32 @!p0 s3, s7;
	s7 =	simm.s32 @!p0 $0x108  }
0x21: {  	s3 =	sadd.s32 s3, s9;
	s6 =	sadd.s32 @!p0 $0x88, s6;
	s7 =	simm.s32 @p2 $0x1082  }
0x22: {  	[simem:s7], [sflag:s8] =	dma.local @!p0 [hbm:s6], $0xF7A  }
0x23: {  	s9 =	sor.u32 $0xD0000000, s2;
	s6 =	simm.s32 $0x108;
	_ =	swait.ge @!p0 [sflag:s8], $0x0  }
0x24: {  	s3 =	sadd.s32 $0x88, s3;
	s6 =	simm.s32 @!p1 $0x1082;
	[sflag:s4] =	ssyncset.s32 $0xFFFFF086  }
0x25: {  	[simem:s6], [sflag:s4] =	dma.local [hbm:s3], $0xF7A  }
0x26: {  	[smem:$0x3F97] =	sst s1;
	(tag) =	ssettag s2;
	_ =	strace s9  }
0x27: {  	s1 =	sld [smem:$0x3FA7]  }
0x28: {  	s2 =	sld [smem:$0x3FA8]  }
0x29: {  	s4 =	sld [smem:$0x3FAA]  }
0x2a: {  	p0 =	seq.s32 s5, $0x0;
	s5 =	sld [smem:$0x3FAB]  }
0x2b: {  	s6 =	sld [smem:$0x3FAC]  }
0x2c: {  	s7 =	sld [smem:$0x3FAD]  }
0x2d: {  	s3 =	simm.s32 $0x108;
	s8 =	sld [smem:$0x3FAE]  }
0x2e: {  	s3 =	simm.s32 @!p0 $0x1082;
	s9 =	sld [smem:$0x3FAF]  }
0x2f: {  	lr =	sadd.s32 s0, s3;
	s0 =	sld [smem:$0x3FA6]  }
0x30: {  	s3 =	sld [smem:$0x3FA9]  }
0x31: {  	[smem:$0x3FB2] =	sst s10  }
0x32: {  	s10 =	sld [smem:$0x3FB0];
	_ =	sdelay $0x3  }
0x33: {  	p0 =	seq.s32 s10, $0x1;
	s10 =	sld [smem:$0x3FB2];
	_ =	sdelay $0x3  }
0x34: {  	[smem:$0x3FB2] =	sst s10  }
0x35: {  	s10 =	sld [smem:$0x3FB1];
	_ =	sdelay $0x3  }
0x36: {  	p1 =	seq.s32 s10, $0x1;
	s10 =	sld [smem:$0x3FB2];
	_ =	sdelay $0x3  }
0x37: {  	[smem:$0x3FB2] =	sst s10  }
0x38: {  	s10 =	sld [smem:$0x3FB3]  }
0x39: {  	_ = 	snop;
	(pc) =	sbr.ind lr, $3  }
0x3a: {  	_ = 	snop  }
0x3b: {  	_ = 	snop  }
0x3c: {  	p2 =	seq.s32 s10, $0x1;
	s10 =	sld [smem:$0x3FB2]  }
0x3d: {  	_ =	shalt  }
0x3e: {  	_ =	shalt  }
0x3f: {  	_ =	shalt  }
0x40: {  	_ =	shalt  }
0x41: {  	_ =	shalt  }
0x42: {  	_ =	shalt  }
0x43: {  	_ =	shalt  }
0x44: {  	_ =	shalt  }
0x45: {  	_ =	shalt  }
0x46: {  	_ =	shalt  }
0x47: {  	_ =	shalt  }
0x48: {  	_ =	shalt  }
0x49: {  	_ =	shalt  }
0x4a: {  	_ =	shalt  }
0x4b: {  	_ =	shalt  }
0x4c: {  	_ =	shalt  }
0x4d: {  	_ =	shalt  }
0x4e: {  	_ =	shalt  }
0x4f: {  	_ =	shalt  }
0x50: {  	_ =	shalt  }
0x51: {  	_ =	shalt  }
0x52: {  	_ =	shalt  }
0x53: {  	_ =	shalt  }
0x54: {  	_ =	shalt  }
0x55: {  	_ =	shalt  }
0x56: {  	_ =	shalt  }
0x57: {  	_ =	shalt  }
0x58: {  	_ =	shalt  }
0x59: {  	_ =	shalt  }
0x5a: {  	_ =	shalt  }
0x5b: {  	_ =	shalt  }
0x5c: {  	_ =	shalt  }
0x5d: {  	_ =	shalt  }
0x5e: {  	_ =	shalt  }
0x5f: {  	_ =	shalt  }
0x60: {  	_ =	shalt  }
0x61: {  	_ =	shalt  }
0x62: {  	_ =	shalt  }
0x63: {  	_ =	shalt  }
0x64: {  	_ =	shalt  }
0x65: {  	_ =	shalt  }
0x66: {  	_ =	shalt  }
0x67: {  	_ =	shalt  }
0x68: {  	_ =	shalt  }
0x69: {  	_ =	shalt  }
0x6a: {  	_ =	shalt  }
0x6b: {  	_ =	shalt  }
0x6c: {  	_ =	shalt  }
0x6d: {  	_ =	shalt  }
0x6e: {  	_ =	shalt  }
0x6f: {  	_ =	shalt  }
0x70: {  	_ =	shalt  }
0x71: {  	_ =	shalt  }
0x72: {  	_ =	shalt  }
0x73: {  	_ =	shalt  }
0x74: {  	_ =	shalt  }
0x75: {  	_ =	shalt  }
0x76: {  	_ =	shalt  }
0x77: {  	_ =	shalt  }
0x78: {  	_ =	shalt  }
0x79: {  	_ =	shalt  }
0x7a: {  	_ =	shalt  }
0x7b: {  	_ =	shalt  }
0x7c: {  	_ =	shalt  }
0x7d: {  	_ =	shalt  }
0x7e: {  	_ =	shalt  }
0x7f: {  	_ =	shalt  }
0x80: {  	_ =	shalt  }
0x81: {  	_ =	shalt  }
0x82: {  	_ =	shalt  }
0x83: {  	_ =	shalt  }
0x84: {  	_ =	shalt  }
0x85: {  	_ =	shalt  }
0x86: {  	_ =	shalt  }
0x87: {  	_ =	shalt  }
.Lfunc_end0:
.L_simem_size_0:
called_computation.1_lowered:
.L_overlay_start_0:
0x88: {  	s2 =	sld [smem:$0x3FD9]  }
0x89: {  	s3 =	sld [smem:$0x3FFE];
	_ =	sdelay $0x1  }
0x8a: {  	s1 =	srdreg.scid  }
0x8b: {  	s0 =	sand.u32 $0x1, s1  }
0x8c: {  	s17 =	sshll.u32 s0, $0xA;
	s2 =	sadd.s32 s3, s2  }
0x8d: {  	s2 =	sadd.s32 s2, s17  }
0x8e: {  	[smem:$0x3FBE] =	sst s2  }
0x8f: {  	_ = 	snop  }
0x90: {  	s2 =	sld [smem:$0x3FD0];
	(tm) =	ssettm $0x1  }
0x91: {  	s18 =	sld [smem:$0x3FFB];
	_ =	sdelay $0x3  }
0x92: {  	_ =	strace s18  }
0x93: {  	s3 =	sld [smem:$0x3FFC];
	_ =	sdelay $0x3  }
0x94: {  	_ =	strace s3  }
0x95: {  	s3 =	sld [smem:$0x3FFD];
	_ =	sdelay $0x3  }
0x96: {  	_ =	strace s3  }
0x97: {  	_ =	strace $0x8FFFFFFF  }
0x98: {  	s19 =	sld [smem:$0x3FDB];
	_ =	sdelay $0x1  }
0x99: {  	s4 =	simm.s32 $_scs_section_size  }
0x9a: {  	s5 =	simm.s32 $_size__tile_overlayer_lowered;
	s6 =	simm.s32 $_tile_overlayer_lowered  }
0x9b: {  	s22 =	simm.s32 $0x1BFF;
	s21 =	sshll.u32 s6, $0x1;
	s3 =	sadd.s32 s4, s19  }
0x9c: {  	s7 =	simm.s32 $0x0;
	s20 =	sshll.u32 s5, $0x1;
	s5 =	sadd.s32 s21, s3  }
0x9d: {  	[timem:s7], [sflag:s22] =	dma.local [hbm:s5], s20  }
0x9e: {  	_ =	swait.ge [sflag:s22], s20  }
0x9f: {  	s4 =	ssub.s32 $0x0, s20;
	[sflag:s22] =	ssyncset.done $0x0  }
0xa0: {  	[sflag:s22] =	ssyncadd.s32 s4;
	_ =	sdelay $0x1  }
0xa1: {  	s23 =	simm.s32 $0x1B8B  }
0xa2: {  	_ =	swait.ge [sflag:s23], $0x1  }
0xa3: {  	[sflag:s23] =	ssyncset.done $0x0  }
0xa4: {  	s25 =	simm.s32 $0x1B8E;
	s24 =	sld [smem:$0x3FFE];
	[sflag:s23] =	ssyncadd.s32 $0xFFFFFFFF  }
0xa5: {  	s26 =	simm.s32 $execute0_lowered;
	[smem:$0x3FD2] =	sst s25  }
0xa6: {  	s5 =	sshll.u32 s26, $0x1;
	_ =	strace $0x80000049;
	[dreg:$0x1] =	wrdreg $0xFFFFFFFF  }
0xa7: {  	s28 =	simm.s32 $_size_execute0_lowered;
	s3 =	sadd.s32 s3, s5;
	[dreg:$0x0] =	wrdreg $0x0  }
0xa8: {  	s5 =	sshll.u32 s28, $0x1;
	[dreg:$0x2] =	wrdreg s3  }
0xa9: {  	[dreg:$0x3] =	wrdreg s5  }
0xaa: {  	[dreg:$0x4] =	wrdreg $0xC0  }
0xab: {  	_ =	task [dreg:s7], $0x5FFFF  }
0xac: {  	[dreg:$0x1] =	wrdreg $0xFFFFFFFF  }
0xad: {  	[dreg:$0x0] =	wrdreg $0x60  }
0xae: {  	[dreg:$0x2] =	wrdreg s2  }
0xaf: {  	[dreg:$0x3] =	wrdreg s24  }
0xb0: {  	[dreg:$0x4] =	wrdreg $0x88000  }
0xb1: {  	[dreg:$0x5] =	wrdreg $0x9  }
0xb2: {  	_ =	task.clear_ibuf [dreg:s7], $0x6FFFF;
	_ =	strace $0x90000049  }
0xb3: {  	s29 =	simm.s32 $0x9;
	_ =	strace $0x8000004B  }
0xb4: {  	_ =	swait.ge [sflag:s29], $0x1  }
0xb5: {  	[sflag:s29] =	ssyncadd.s32 $0xFFFFFFFF  }
0xb6: {  	_ =	strace $0x9000004B  }
0xb7: {  	_ =	sfence  }
0xb8: {  	s30 =	sld [smem:$0x0];
	_ =	sdelay $0x2  }
0xb9: {  	s31 =	sshll.u32 s1, $0xD;
	s1 =	sshrl.u32 s1, $0x2  }
0xba: {  	s3 =	sand.u32 $0x4000, s31;
	s1 =	sadd.s32 s1, s30  }
0xbb: {  	s0 =	sor.u32 s3, s0;
	s1 =	sshll.u32 s1, $0x11  }
0xbc: {  	s0 =	sor.u32 s1, s0  }
0xbd: {  	s0 =	sadd.s32 $0x8F2B, s0  }
0xbe: {  	[sflag:s0] =	ssyncadd.remote.s32 $0x1  }
0xbf: {  	_ =	sfence.sel $0xFFFF  }
0xc0: {  	[dreg:$0x0] =	wrdreg $0xFFFFFFFF;
	(pc) =	sbr.abs _section_cstart, $3  }
0xc1: {  	[dreg:$0x1] =	wrdreg $0xFFFFFFFF  }
0xc2: {  	_ =	task.clear_ibuf [dreg:s7], $0x2FFFF;
	_ =	strace $0x9FFFFFFF  }
0xc3: {  	(tm) =	ssettm $0x7FFFFFFF  }
tec
execute0_lowered:
.L_overlay_start_1:
0x0: {  	(tag) =	ssettag $0x1  }
0x1: {  	s1 =	rddreg [dreg:$0x0]  }
0x2: {  	s8 =	rddreg [dreg:$0x1]  }
0x3: {  	s2 =	rddreg [dreg:$0x2]  }
0x4: {  	s3 =	srdreg.scid;
	s0 =	rddreg [dreg:$0x3]  }
0x5: {  	s4 =	simm.s32 $0x0;
	s14 =	simm.s32 $0x1C00;
	s15 =	simm.s32 $0x50  }
0x6: {  	s16 =	simm.s32 $0x3800;
	s17 =	simm.s32 $0x80;
	s18 =	simm.s32 $0x6000  }
0x7: {  	s19 =	simm.s32 $0x1;
	s20 =	simm.s32 $0x2;
	s21 =	simm.s32 $0x3  }
0x8: {  	s22 =	simm.s32 $0x4;
	s23 =	simm.s32 $0x3400;
	s24 =	simm.s32 $0x3480  }
0x9: {  	s9 =	sand.u32 $0x1, s3;
	s3 =	stileid.u32;
	[smem:$0x7FF] =	sst s4  }
0xa: {  	s5 =	sadd.s32 $0x1E00, s8;
	s6 =	sadd.s32 $0x24E00, s8;
	s10 =	smul.u32 $0x140000, s9  }
0xb: {  	s7 =	sadd.s32 $0x47E00, s8;
	s11 =	smul.u32 $0x14000, s3;
	_ =	strace $0x8000004A  }
0xc: {  	s28 =	ssub.s32 $0x2, s9;
	s13 =	smul.u32 $0x50000, s3;
	s29 =	sshll.u32 s3, $0x1  }
0xd: {  	s31 =	sshll.u32 s3, $0x6;
	s12 =	sshrl.u32 s28, $0x1;
	s9 =	sor.u32 s9, s29  }
0xe: {  	s10 =	sadd.s32 s11, s10;
	s11 =	ssub.s32 s28, s12;
	s30 =	sshrl.u32 s13, $0x2  }
0xf: {  	s9 =	smul.u32 $0x8C00, s9;
	s10 =	sshrl.u32 s10, $0x3;
	s13 =	sadd.s32 s30, s2  }
0x10: {  	s11 =	smax.u32 s11, $0x1;
	s10 =	sadd.s32 s10, s8;
	s8 =	sor.u32 $0x1C05, s31  }
0x11: {  	s12 =	sshrl.u32 s13, $0x3;
	s13 =	simm.s32 $0x5;
	s10 =	sadd.s32 $0x4A600, s10  }
.LBB2_1:
0x12: {  	[spmem:s12], [sflag:s8] =	dma.local [hbm:s7], $0x2800  }
0x13: {  	_ =	swait.ge [sflag:s13], $0x2800  }
0x14: {  	[sflag:s13] =	ssyncset.done $0x0  }
0x15: {  	[sflag:s13] =	ssyncadd.s32 $0xFFFFD800  }
0x16: {  	s25 =	simm.s32 $0x0;
	[bflag:$0x0] =	sbarrier.arrive $0xFFFF  }
.LBB2_2:
0x17: {  	s26 =	smul.u32 $0x1C00, s25;
	_ =	sdelay $0x1  }
0x18: {  	s26 =	sadd.s32 s9, s26  }
0x19: {  	s26 =	sshrl.u32 s26, $0x3  }
0x1a: {  	s29 =	simm.s32 $0x0;
	s28 =	sadd.s32 s5, s26  }
0x1b: {  	[tilespmem:s29], [sflag:$0x5] =	stream.linear.gather [hbm4b:s28+s29], $0x1900, $0x38;
	[tilespmem:$0x1C800] =	vst v63  }
0x1c: {  	_ =	swait.ge [sflag:s13], $0x1900  }
0x1d: {  	[sflag:s13] =	ssyncset.done $0x0  }
0x1e: {  	s26 =	sadd.s32 s6, s26;
	[sflag:s13] =	ssyncadd.s32 $0xFFFFE700  }
0x1f: {  	[tilespmem:s14], [sflag:$0x5] =	stream.linear.gather [hbm4b:s26+s29], $0x1900, $0x38;
	[tilespmem:$0x1C800] =	vst v63  }
0x20: {  	_ =	swait.ge [sflag:s13], $0x1900  }
0x21: {  	[sflag:s13] =	ssyncset.done $0x0  }
0x22: {  	[sflag:s13] =	ssyncadd.s32 $0xFFFFE700  }
0x23: {  	[tilespmem:s16], [sflag:$0x1] =	stream.indirect.gather [hbm4b:s1+s15], $0x80, s29, s15, $0xb8;
	[tilespmem:$0x1C800] =	vst v63  }
0x24: {  	_ = 	snop  }
0x25: {  	[tilespmem:s18], [sflag:$0x2] =	stream.indirect.gather [hbm4b:s1+s15], $0x80, s17, s15, $0xb8;
	[tilespmem:$0x1C800] =	vst v63  }
0x26: {  	_ =	swait.ge [sflag:s19], $0x2800  }
0x27: {  	[sflag:s19] =	ssyncset.done $0x0  }
0x28: {  	s29 =	simm.s32 $0x1C00;
	[sflag:s19] =	ssyncadd.s32 $0xFFFFD800  }
0x29: {  	[spmem:s2] =	stream.indirect.scatter.add.f32 [tilespmem:s16], [sflag:$0x3], $0x80, s29, s15, $0xb8;
	[tilespmem:$0x1C800] =	vst v63  }
0x2a: {  	_ =	swait.ge [sflag:s20], $0x2800  }
0x2b: {  	[sflag:s20] =	ssyncset.done $0x0  }
0x2c: {  	s30 =	simm.s32 $0x1C80;
	[sflag:s20] =	ssyncadd.s32 $0xFFFFD800  }
0x2d: {  	[spmem:s2] =	stream.indirect.scatter.add.f32 [tilespmem:s18], [sflag:$0x4], $0x80, s30, s15, $0xb8;
	[tilespmem:$0x1C800] =	vst v63  }
0x2e: {  	_ =	swait.ge [sflag:s21], $0x2800  }
0x2f: {  	[sflag:s21] =	ssyncset.done $0x0  }
0x30: {  	s31 =	simm.s32 $0x100;
	[sflag:s21] =	ssyncadd.s32 $0xFFFFD800  }
0x31: {  	[tilespmem:s16], [sflag:$0x1] =	stream.indirect.gather [hbm4b:s1+s15], $0x80, s31, s15, $0xb8;
	[tilespmem:$0x1C800] =	vst v63  }
0x32: {  	_ =	swait.ge [sflag:s22], $0x2800  }
0x33: {  	[sflag:s22] =	ssyncset.done $0x0  }
0x34: {  	s28 =	simm.s32 $0x180;
	s26 =	simm.s32 $0x400;
	[sflag:s22] =	ssyncadd.s32 $0xFFFFD800  }
.LBB2_3:
0x35: {  	[tilespmem:s18], [sflag:$0x2] =	stream.indirect.gather [hbm4b:s1+s15], $0x80, s28, s15, $0xb8;
	[tilespmem:$0x1C800] =	vst v63  }
0x36: {  	s28 =	smov.u32 s26  }
0x37: {  	p0 =	sne.s32 s26, $0x5C00;
	s26 =	sadd.s32 $0x400, s26;
	_ =	swait.ge [sflag:s19], $0x2800  }
0x38: {  	s28 =	sshra.s32 s28, $0x2;
	[sflag:s19] =	ssyncset.done $0x0  }
0x39: {  	s29 =	sadd.s32 $0x1C00, s28;
	[sflag:s19] =	ssyncadd.s32 $0xFFFFD800  }
0x3a: {  	[spmem:s2] =	stream.indirect.scatter.add.f32 [tilespmem:s16], [sflag:$0x3], $0x80, s29, s15, $0xb8;
	[tilespmem:$0x1C800] =	vst v63  }
0x3b: {  	_ =	swait.ge [sflag:s20], $0x2800  }
0x3c: {  	[sflag:s20] =	ssyncset.done $0x0  }
0x3d: {  	s29 =	sadd.s32 $0x1C80, s28;
	[sflag:s20] =	ssyncadd.s32 $0xFFFFD800  }
0x3e: {  	[spmem:s2] =	stream.indirect.scatter.add.f32 [tilespmem:s18], [sflag:$0x4], $0x80, s29, s15, $0xb8;
	[tilespmem:$0x1C800] =	vst v63  }
0x3f: {  	_ =	swait.ge [sflag:s21], $0x2800  }
0x40: {  	[sflag:s21] =	ssyncset.done $0x0  }
.Ltmp0:
0x41: {  	s29 =	sadd.s32 $0x100, s28;
	[sflag:s21] =	ssyncadd.s32 $0xFFFFD800;
	(pc) =	sbr.rel @p0 .LBB2_3-.Ltmp0, $4  }
0x42: {  	[tilespmem:s16], [sflag:$0x1] =	stream.indirect.gather [hbm4b:s1+s15], $0x80, s29, s15, $0xb8;
	[tilespmem:$0x1C800] =	vst v63  }
0x43: {  	_ =	swait.ge [sflag:s22], $0x2800  }
0x44: {  	[sflag:s22] =	ssyncset.done $0x0  }
0x45: {  	s28 =	sadd.s32 $0x180, s28;
	[sflag:s22] =	ssyncadd.s32 $0xFFFFD800  }
0x46: {  	[tilespmem:s18], [sflag:$0x2] =	stream.indirect.gather [hbm4b:s1+s15], $0x80, s28, s15, $0xb8;
	[tilespmem:$0x1C800] =	vst v63  }
0x47: {  	_ =	swait.ge [sflag:s19], $0x2800  }
0x48: {  	[sflag:s19] =	ssyncset.done $0x0  }
0x49: {  	[sflag:s19] =	ssyncadd.s32 $0xFFFFD800  }
0x4a: {  	[spmem:s2] =	stream.indirect.scatter.add.f32 [tilespmem:s16], [sflag:$0x3], $0x80, s23, s15, $0xb8;
	[tilespmem:$0x1C800] =	vst v63  }
0x4b: {  	_ =	swait.ge [sflag:s20], $0x2800  }
0x4c: {  	[sflag:s20] =	ssyncset.done $0x0  }
0x4d: {  	s25 =	sadd.s32 $0x1, s25;
	[sflag:s20] =	ssyncadd.s32 $0xFFFFD800  }
0x4e: {  	[spmem:s2] =	stream.indirect.scatter.add.f32 [tilespmem:s18], [sflag:$0x4], $0x80, s24, s15, $0xb8;
	[tilespmem:$0x1C800] =	vst v63  }
0x4f: {  	p0 =	sne.s32 s25, $0x5;
	_ =	swait.ge [sflag:s21], $0x2800  }
.Ltmp1:
0x50: {  	[sflag:s21] =	ssyncset.done $0x0;
	(pc) =	sbr.rel @p0 .LBB2_2-.Ltmp1, $4  }
0x51: {  	[sflag:s21] =	ssyncadd.s32 $0xFFFFD800  }
0x52: {  	_ =	swait.ge [sflag:s22], $0x2800  }
0x53: {  	[sflag:s22] =	ssyncset.done $0x0  }
0x54: {  	[sflag:s22] =	ssyncadd.s32 $0xFFFFD800  }
0x55: {  	s4 =	sadd.s32 $0x1, s4  }
0x56: {  	p0 =	sne.s32 s4, s11  }
.Ltmp2:
0x57: {  	[bflag:$0x0] =	sbarrier.arrive $0xFFFF;
	(pc) =	sbr.rel @p0 .LBB2_1-.Ltmp2, $4  }
0x58: {  	[hbm:s10], [sflag:s8] =	dma.local [spmem:s12], $0x2800  }
0x59: {  	_ =	swait.ge [sflag:s13], $0x2800  }
0x5a: {  	[sflag:s13] =	ssyncset.done $0x0  }
0x5b: {  	[sflag:s13] =	ssyncadd.s32 $0xFFFFD800  }
0x5c: {  	_ =	sfence.sel $0x180000  }
0x5d: {  	[bflag:$0x0] =	sbarrier.arrive $0xFFFF  }
0x5e: {  	p0 =	sne.s32 s3, $0x0;
	_ =	strace $0x9000004A  }
0x5f: {  	s0 =	sadd.s32 @!p0 $0x100000, s0;
	[bflag:$0x2] =	sbarrier.arrive $0xFFFF  }
0x60: {  	[sflag:s0] =	ssyncadd.tile.s32 @!p0 $0x1;
	_ =	shalt  }
.Lfunc_end2:
_tile_overlayer_lowered:
.L_overlay_start_2:
0x61: {  	(tag) =	ssettag $0x2  }
0x62: {  	s0 =	rddreg [dreg:$0x0];
	s2 =	stileid.u32  }
0x63: {  	s1 =	rddreg [dreg:$0x1];
	p0 =	sne.s32 s2, $0x0  }
0x64: {  	s3 =	rddreg [dreg:$0x2];
	[bflag:$0x3] =	sbarrier.arrive $0xFFFF;
	s2 =	simm.s32 @!p0 $0x1C05  }
0x65: {  	[timem:s3], [sflag:s2] =	dma.local @!p0 [hbm:s0], s1  }
0x66: {  	s0 =	simm.s32 @!p0 $0x5  }
0x67: {  	_ =	swait.ge @!p0 [sflag:s0], s1  }
0x68: {  	s1 =	ssub.s32 @!p0 $0x0, s1;
	[sflag:s0] =	ssyncset.done @!p0 $0x0  }
0x69: {  	[sflag:s0] =	ssyncadd.s32 @!p0 s1  }
0x6a: {  	[bflag:$0x3] =	sbarrier.arrive $0xFFFF  }
0x6b: {  	_ =	shalt  }

// kernel: kernel.14.cloned.1.call-start
scs
__scs_entry_jumppad:
0x0: {  	(pc) =	sbr.rel $0x88, $3  }
0x1: {  	(tag) =	ssettag $0x0;
	lr =	simm.s32 $0x1  }
0x2: {  	[smem:$0x3F97] =	sst lr;
	_ =	strace $0xD0000000  }
0x3: {  	_ = 	snop  }
0x4: {  	_ = 	snop  }
0x5: {  	_ = 	snop  }
0x6: {  	_ = 	snop  }
0x7: {  	_ = 	snop  }
__scs_overlays_trampoline_lowered:
0x8: {  	[smem:$0x3FA6] =	sst s0  }
0x9: {  	[smem:$0x3FA7] =	sst s1  }
0xa: {  	[smem:$0x3FA8] =	sst s2  }
0xb: {  	[smem:$0x3FA9] =	sst s3  }
0xc: {  	[smem:$0x3FAA] =	sst s4  }
0xd: {  	[smem:$0x3FAB] =	sst s5  }
0xe: {  	[smem:$0x3FAC] =	sst s6  }
0xf: {  	[smem:$0x3FAD] =	sst s7  }
0x10: {  	[smem:$0x3FAE] =	sst s8  }
0x11: {  	[smem:$0x3FAF] =	sst s9;
	s0 =	simm.s32 @!p0 $0x0  }
0x12: {  	s1 =	sld [smem:$0x3F95];
	s0 =	simm.s32 @p0 $0x1  }
0x13: {  	[smem:$0x3FB0] =	sst s0;
	s0 =	simm.s32 @!p1 $0x0  }
0x14: {  	s2 =	sld [smem:$0x3F94];
	s0 =	simm.s32 @p1 $0x1  }
0x15: {  	[smem:$0x3FB1] =	sst s0;
	s0 =	simm.s32 @!p2 $0x0  }
0x16: {  	s3 =	sld [smem:$0x3FDB];
	s0 =	simm.s32 @p2 $0x1  }
0x17: {  	s4 =	simm.s32 $0x1BF5;
	[smem:$0x3FB3] =	sst s0  }
0x18: {  	s0 =	sld [smem:$0x3F96];
	_ =	swait.ge [sflag:s4], $0x0  }
0x19: {  	s7 =	sld [smem:$0x3F97]  }
0x1a: {  	s8 =	sadd.s32 $0xFFFFE003, lr  }
0x1b: {  	s9 =	sadd.s32 $0xFFFFFEF7, lr;
	s5 =	simm.s32 $0xFFFFFFFF;
	p2 =	slt.u32 s8, $0xFFFFF086  }
0x1c: {  	p1 =	slt.u32 s9, $0xF7A;
	s5 =	simm.s32 @!p2 $0x0  }
0x1d: {  	s5 =	simm.s32 @p1 $0x1;
	p0 =	seq.s32 s7, s2  }
0x1e: {  	s7 =	smul.u32 @!p0 $0xF7A, s2;
	p2 =	seq.s32 @!p0 s5, $0x0  }
0x1f: {  	s9 =	smul.u32 $0xF7A, s1;
	s8 =	simm.s32 @!p0 $0x1BF5;
	p2 =	por !p2, p0  }
0x20: {  	[sflag:s8] =	ssyncset.s32 @!p0 $0xFFFFF086;
	s6 =	sadd.s32 @!p0 s3, s7;
	s7 =	simm.s32 @!p0 $0x108  }
0x21: {  	s3 =	sadd.s32 s3, s9;
	s6 =	sadd.s32 @!p0 $0x88, s6;
	s7 =	simm.s32 @p2 $0x1082  }
0x22: {  	[simem:s7], [sflag:s8] =	dma.local @!p0 [hbm:s6], $0xF7A  }
0x23: {  	s9 =	sor.u32 $0xD0000000, s2;
	s6 =	simm.s32 $0x108;
	_ =	swait.ge @!p0 [sflag:s8], $0x0  }
0x24: {  	s3 =	sadd.s32 $0x88, s3;
	s6 =	simm.s32 @!p1 $0x1082;
	[sflag:s4] =	ssyncset.s32 $0xFFFFF086  }
0x25: {  	[simem:s6], [sflag:s4] =	dma.local [hbm:s3], $0xF7A  }
0x26: {  	[smem:$0x3F97] =	sst s1;
	(tag) =	ssettag s2;
	_ =	strace s9  }
0x27: {  	s1 =	sld [smem:$0x3FA7]  }
0x28: {  	s2 =	sld [smem:$0x3FA8]  }
0x29: {  	s4 =	sld [smem:$0x3FAA]  }
0x2a: {  	p0 =	seq.s32 s5, $0x0;
	s5 =	sld [smem:$0x3FAB]  }
0x2b: {  	s6 =	sld [smem:$0x3FAC]  }
0x2c: {  	s7 =	sld [smem:$0x3FAD]  }
0x2d: {  	s3 =	simm.s32 $0x108;
	s8 =	sld [smem:$0x3FAE]  }
0x2e: {  	s3 =	simm.s32 @!p0 $0x1082;
	s9 =	sld [smem:$0x3FAF]  }
0x2f: {  	lr =	sadd.s32 s0, s3;
	s0 =	sld [smem:$0x3FA6]  }
0x30: {  	s3 =	sld [smem:$0x3FA9]  }
0x31: {  	[smem:$0x3FB2] =	sst s10  }
0x32: {  	s10 =	sld [smem:$0x3FB0];
	_ =	sdelay $0x3  }
0x33: {  	p0 =	seq.s32 s10, $0x1;
	s10 =	sld [smem:$0x3FB2];
	_ =	sdelay $0x3  }
0x34: {  	[smem:$0x3FB2] =	sst s10  }
0x35: {  	s10 =	sld [smem:$0x3FB1];
	_ =	sdelay $0x3  }
0x36: {  	p1 =	seq.s32 s10, $0x1;
	s10 =	sld [smem:$0x3FB2];
	_ =	sdelay $0x3  }
0x37: {  	[smem:$0x3FB2] =	sst s10  }
0x38: {  	s10 =	sld [smem:$0x3FB3]  }
0x39: {  	_ = 	snop;
	(pc) =	sbr.ind lr, $3  }
0x3a: {  	_ = 	snop  }
0x3b: {  	_ = 	snop  }
0x3c: {  	p2 =	seq.s32 s10, $0x1;
	s10 =	sld [smem:$0x3FB2]  }
0x3d: {  	_ =	shalt  }
0x3e: {  	_ =	shalt  }
0x3f: {  	_ =	shalt  }
0x40: {  	_ =	shalt  }
0x41: {  	_ =	shalt  }
0x42: {  	_ =	shalt  }
0x43: {  	_ =	shalt  }
0x44: {  	_ =	shalt  }
0x45: {  	_ =	shalt  }
0x46: {  	_ =	shalt  }
0x47: {  	_ =	shalt  }
0x48: {  	_ =	shalt  }
0x49: {  	_ =	shalt  }
0x4a: {  	_ =	shalt  }
0x4b: {  	_ =	shalt  }
0x4c: {  	_ =	shalt  }
0x4d: {  	_ =	shalt  }
0x4e: {  	_ =	shalt  }
0x4f: {  	_ =	shalt  }
0x50: {  	_ =	shalt  }
0x51: {  	_ =	shalt  }
0x52: {  	_ =	shalt  }
0x53: {  	_ =	shalt  }
0x54: {  	_ =	shalt  }
0x55: {  	_ =	shalt  }
0x56: {  	_ =	shalt  }
0x57: {  	_ =	shalt  }
0x58: {  	_ =	shalt  }
0x59: {  	_ =	shalt  }
0x5a: {  	_ =	shalt  }
0x5b: {  	_ =	shalt  }
0x5c: {  	_ =	shalt  }
0x5d: {  	_ =	shalt  }
0x5e: {  	_ =	shalt  }
0x5f: {  	_ =	shalt  }
0x60: {  	_ =	shalt  }
0x61: {  	_ =	shalt  }
0x62: {  	_ =	shalt  }
0x63: {  	_ =	shalt  }
0x64: {  	_ =	shalt  }
0x65: {  	_ =	shalt  }
0x66: {  	_ =	shalt  }
0x67: {  	_ =	shalt  }
0x68: {  	_ =	shalt  }
0x69: {  	_ =	shalt  }
0x6a: {  	_ =	shalt  }
0x6b: {  	_ =	shalt  }
0x6c: {  	_ =	shalt  }
0x6d: {  	_ =	shalt  }
0x6e: {  	_ =	shalt  }
0x6f: {  	_ =	shalt  }
0x70: {  	_ =	shalt  }
0x71: {  	_ =	shalt  }
0x72: {  	_ =	shalt  }
0x73: {  	_ =	shalt  }
0x74: {  	_ =	shalt  }
0x75: {  	_ =	shalt  }
0x76: {  	_ =	shalt  }
0x77: {  	_ =	shalt  }
0x78: {  	_ =	shalt  }
0x79: {  	_ =	shalt  }
0x7a: {  	_ =	shalt  }
0x7b: {  	_ =	shalt  }
0x7c: {  	_ =	shalt  }
0x7d: {  	_ =	shalt  }
0x7e: {  	_ =	shalt  }
0x7f: {  	_ =	shalt  }
0x80: {  	_ =	shalt  }
0x81: {  	_ =	shalt  }
0x82: {  	_ =	shalt  }
0x83: {  	_ =	shalt  }
0x84: {  	_ =	shalt  }
0x85: {  	_ =	shalt  }
0x86: {  	_ =	shalt  }
0x87: {  	_ =	shalt  }
.Lfunc_end0:
.L_simem_size_0:
called_computation.2_lowered:
.L_overlay_start_0:
0x88: {  	s2 =	sld [smem:$0x3FD9]  }
0x89: {  	s3 =	sld [smem:$0x3FFE];
	_ =	sdelay $0x1  }
0x8a: {  	s1 =	srdreg.scid  }
0x8b: {  	s0 =	sand.u32 $0x1, s1  }
0x8c: {  	s17 =	sshll.u32 s0, $0xA;
	s2 =	sadd.s32 s3, s2  }
0x8d: {  	s2 =	sadd.s32 s2, s17  }
0x8e: {  	[smem:$0x3FBE] =	sst s2  }
0x8f: {  	_ = 	snop  }
0x90: {  	s2 =	sld [smem:$0x3FD0];
	(tm) =	ssettm $0x1  }
0x91: {  	s18 =	sld [smem:$0x3FFB];
	_ =	sdelay $0x3  }
0x92: {  	_ =	strace s18  }
0x93: {  	s3 =	sld [smem:$0x3FFC];
	_ =	sdelay $0x3  }
0x94: {  	_ =	strace s3  }
0x95: {  	s3 =	sld [smem:$0x3FFD];
	_ =	sdelay $0x3  }
0x96: {  	_ =	strace s3  }
0x97: {  	_ =	strace $0x8FFFFFFF  }
0x98: {  	s19 =	sld [smem:$0x3FDB];
	_ =	sdelay $0x1  }
0x99: {  	s4 =	simm.s32 $_scs_section_size  }
0x9a: {  	s5 =	simm.s32 $_size__tile_overlayer_lowered;
	s6 =	simm.s32 $_tile_overlayer_lowered  }
0x9b: {  	s22 =	simm.s32 $0x1BFF;
	s21 =	sshll.u32 s6, $0x1;
	s3 =	sadd.s32 s4, s19  }
0x9c: {  	s7 =	simm.s32 $0x0;
	s20 =	sshll.u32 s5, $0x1;
	s5 =	sadd.s32 s21, s3  }
0x9d: {  	[timem:s7], [sflag:s22] =	dma.local [hbm:s5], s20  }
0x9e: {  	_ =	swait.ge [sflag:s22], s20  }
0x9f: {  	s4 =	ssub.s32 $0x0, s20;
	[sflag:s22] =	ssyncset.done $0x0  }
0xa0: {  	[sflag:s22] =	ssyncadd.s32 s4;
	_ =	sdelay $0x1  }
0xa1: {  	s23 =	simm.s32 $0x1B8B  }
0xa2: {  	_ =	swait.ge [sflag:s23], $0x1  }
0xa3: {  	[sflag:s23] =	ssyncset.done $0x0  }
0xa4: {  	s25 =	simm.s32 $0x1B8E;
	s24 =	sld [smem:$0x3FFE];
	[sflag:s23] =	ssyncadd.s32 $0xFFFFFFFF  }
0xa5: {  	s26 =	simm.s32 $execute0_lowered;
	[smem:$0x3FD2] =	sst s25  }
0xa6: {  	s5 =	sshll.u32 s26, $0x1;
	_ =	strace $0x8000004C;
	[dreg:$0x1] =	wrdreg $0xFFFFFFFF  }
0xa7: {  	s28 =	simm.s32 $_size_execute0_lowered;
	s3 =	sadd.s32 s3, s5;
	[dreg:$0x0] =	wrdreg $0x0  }
0xa8: {  	s5 =	sshll.u32 s28, $0x1;
	[dreg:$0x2] =	wrdreg s3  }
0xa9: {  	[dreg:$0x3] =	wrdreg s5  }
0xaa: {  	[dreg:$0x4] =	wrdreg $0xC0  }
0xab: {  	_ =	task [dreg:s7], $0x5FFFF  }
0xac: {  	[dreg:$0x1] =	wrdreg $0xFFFFFFFF  }
0xad: {  	[dreg:$0x0] =	wrdreg $0x60  }
0xae: {  	[dreg:$0x2] =	wrdreg s2  }
0xaf: {  	[dreg:$0x3] =	wrdreg s24  }
0xb0: {  	[dreg:$0x4] =	wrdreg $0x88000  }
0xb1: {  	[dreg:$0x5] =	wrdreg $0x9  }
0xb2: {  	_ =	task.clear_ibuf [dreg:s7], $0x6FFFF;
	_ =	strace $0x9000004C  }
0xb3: {  	s29 =	simm.s32 $0x9;
	_ =	strace $0x8000004E  }
0xb4: {  	_ =	swait.ge [sflag:s29], $0x1  }
0xb5: {  	[sflag:s29] =	ssyncadd.s32 $0xFFFFFFFF  }
0xb6: {  	_ =	strace $0x9000004E  }
0xb7: {  	_ =	sfence  }
0xb8: {  	s30 =	sld [smem:$0x0];
	_ =	sdelay $0x2  }
0xb9: {  	s31 =	sshll.u32 s1, $0xD;
	s1 =	sshrl.u32 s1, $0x2  }
0xba: {  	s3 =	sand.u32 $0x4000, s31;
	s1 =	sadd.s32 s1, s30  }
0xbb: {  	s0 =	sor.u32 s3, s0;
	s1 =	sshll.u32 s1, $0x11  }
0xbc: {  	s0 =	sor.u32 s1, s0  }
0xbd: {  	s0 =	sadd.s32 $0x8F2B, s0  }
0xbe: {  	[sflag:s0] =	ssyncadd.remote.s32 $0x1  }
0xbf: {  	_ =	sfence.sel $0xFFFF  }
0xc0: {  	[dreg:$0x0] =	wrdreg $0xFFFFFFFF;
	(pc) =	sbr.abs _section_cstart, $3  }
0xc1: {  	[dreg:$0x1] =	wrdreg $0xFFFFFFFF  }
0xc2: {  	_ =	task.clear_ibuf [dreg:s7], $0x2FFFF;
	_ =	strace $0x9FFFFFFF  }
0xc3: {  	(tm) =	ssettm $0x7FFFFFFF  }
tec
execute0_lowered:
.L_overlay_start_1:
0x0: {  	(tag) =	ssettag $0x1  }
0x1: {  	s1 =	rddreg [dreg:$0x0]  }
0x2: {  	s8 =	rddreg [dreg:$0x1]  }
0x3: {  	s2 =	rddreg [dreg:$0x2]  }
0x4: {  	s3 =	srdreg.scid;
	s0 =	rddreg [dreg:$0x3]  }
0x5: {  	s4 =	simm.s32 $0x0;
	s14 =	simm.s32 $0x1C00;
	s15 =	simm.s32 $0x50  }
0x6: {  	s16 =	simm.s32 $0x3800;
	s17 =	simm.s32 $0x80;
	s18 =	simm.s32 $0x6000  }
0x7: {  	s19 =	simm.s32 $0x1;
	s20 =	simm.s32 $0x2;
	s21 =	simm.s32 $0x3  }
0x8: {  	s22 =	simm.s32 $0x4;
	s23 =	simm.s32 $0x3400;
	s24 =	simm.s32 $0x3480  }
0x9: {  	s9 =	sand.u32 $0x1, s3;
	s3 =	stileid.u32;
	[smem:$0x7FF] =	sst s4  }
0xa: {  	s5 =	sadd.s32 $0x1E00, s8;
	s6 =	sadd.s32 $0x24E00, s8;
	s10 =	smul.u32 $0x140000, s9  }
0xb: {  	s7 =	sadd.s32 $0x47E00, s8;
	s11 =	smul.u32 $0x14000, s3;
	_ =	strace $0x8000004D  }
0xc: {  	s28 =	ssub.s32 $0x2, s9;
	s13 =	smul.u32 $0x50000, s3;
	s29 =	sshll.u32 s3, $0x1  }
0xd: {  	s31 =	sshll.u32 s3, $0x6;
	s12 =	sshrl.u32 s28, $0x1;
	s9 =	sor.u32 s9, s29  }
0xe: {  	s10 =	sadd.s32 s11, s10;
	s11 =	ssub.s32 s28, s12;
	s30 =	sshrl.u32 s13, $0x2  }
0xf: {  	s9 =	smul.u32 $0x8C00, s9;
	s10 =	sshrl.u32 s10, $0x3;
	s13 =	sadd.s32 s30, s2  }
0x10: {  	s11 =	smax.u32 s11, $0x1;
	s10 =	sadd.s32 s10, s8;
	s8 =	sor.u32 $0x1C05, s31  }
0x11: {  	s12 =	sshrl.u32 s13, $0x3;
	s13 =	simm.s32 $0x5;
	s10 =	sadd.s32 $0x4A600, s10  }
.LBB2_1:
0x12: {  	[spmem:s12], [sflag:s8] =	dma.local [hbm:s7], $0x2800  }
0x13: {  	_ =	swait.ge [sflag:s13], $0x2800  }
0x14: {  	[sflag:s13] =	ssyncset.done $0x0  }
0x15: {  	[sflag:s13] =	ssyncadd.s32 $0xFFFFD800  }
0x16: {  	s25 =	simm.s32 $0x0;
	[bflag:$0x0] =	sbarrier.arrive $0xFFFF  }
.LBB2_2:
0x17: {  	s26 =	smul.u32 $0x1C00, s25;
	_ =	sdelay $0x1  }
0x18: {  	s26 =	sadd.s32 s9, s26  }
0x19: {  	s26 =	sshrl.u32 s26, $0x3  }
0x1a: {  	s29 =	simm.s32 $0x0;
	s28 =	sadd.s32 s5, s26  }
0x1b: {  	[tilespmem:s29], [sflag:$0x5] =	stream.linear.gather [hbm4b:s28+s29], $0x1900, $0x38;
	[tilespmem:$0x1C800] =	vst v63  }
0x1c: {  	_ =	swait.ge [sflag:s13], $0x1900  }
0x1d: {  	[sflag:s13] =	ssyncset.done $0x0  }
0x1e: {  	s26 =	sadd.s32 s6, s26;
	[sflag:s13] =	ssyncadd.s32 $0xFFFFE700  }
0x1f: {  	[tilespmem:s14], [sflag:$0x5] =	stream.linear.gather [hbm4b:s26+s29], $0x1900, $0x38;
	[tilespmem:$0x1C800] =	vst v63  }
0x20: {  	_ =	swait.ge [sflag:s13], $0x1900  }
0x21: {  	[sflag:s13] =	ssyncset.done $0x0  }
0x22: {  	[sflag:s13] =	ssyncadd.s32 $0xFFFFE700  }
0x23: {  	[tilespmem:s16], [sflag:$0x1] =	stream.indirect.gather [hbm4b:s1+s15], $0x80, s29, s15, $0xb8;
	[tilespmem:$0x1C800] =	vst v63  }
0x24: {  	_ = 	snop  }
0x25: {  	[tilespmem:s18], [sflag:$0x2] =	stream.indirect.gather [hbm4b:s1+s15], $0x80, s17, s15, $0xb8;
	[tilespmem:$0x1C800] =	vst v63  }
0x26: {  	_ =	swait.ge [sflag:s19], $0x2800  }
0x27: {  	[sflag:s19] =	ssyncset.done $0x0  }
0x28: {  	s29 =	simm.s32 $0x1C00;
	[sflag:s19] =	ssyncadd.s32 $0xFFFFD800  }
0x29: {  	[spmem:s2] =	stream.indirect.scatter.add.f32 [tilespmem:s16], [sflag:$0x3], $0x80, s29, s15, $0xb8;
	[tilespmem:$0x1C800] =	vst v63  }
0x2a: {  	_ =	swait.ge [sflag:s20], $0x2800  }
0x2b: {  	[sflag:s20] =	ssyncset.done $0x0  }
0x2c: {  	s30 =	simm.s32 $0x1C80;
	[sflag:s20] =	ssyncadd.s32 $0xFFFFD800  }
0x2d: {  	[spmem:s2] =	stream.indirect.scatter.add.f32 [tilespmem:s18], [sflag:$0x4], $0x80, s30, s15, $0xb8;
	[tilespmem:$0x1C800] =	vst v63  }
0x2e: {  	_ =	swait.ge [sflag:s21], $0x2800  }
0x2f: {  	[sflag:s21] =	ssyncset.done $0x0  }
0x30: {  	s31 =	simm.s32 $0x100;
	[sflag:s21] =	ssyncadd.s32 $0xFFFFD800  }
0x31: {  	[tilespmem:s16], [sflag:$0x1] =	stream.indirect.gather [hbm4b:s1+s15], $0x80, s31, s15, $0xb8;
	[tilespmem:$0x1C800] =	vst v63  }
0x32: {  	_ =	swait.ge [sflag:s22], $0x2800  }
0x33: {  	[sflag:s22] =	ssyncset.done $0x0  }
0x34: {  	s28 =	simm.s32 $0x180;
	s26 =	simm.s32 $0x400;
	[sflag:s22] =	ssyncadd.s32 $0xFFFFD800  }
.LBB2_3:
0x35: {  	[tilespmem:s18], [sflag:$0x2] =	stream.indirect.gather [hbm4b:s1+s15], $0x80, s28, s15, $0xb8;
	[tilespmem:$0x1C800] =	vst v63  }
0x36: {  	s28 =	smov.u32 s26  }
0x37: {  	p0 =	sne.s32 s26, $0x5C00;
	s26 =	sadd.s32 $0x400, s26;
	_ =	swait.ge [sflag:s19], $0x2800  }
0x38: {  	s28 =	sshra.s32 s28, $0x2;
	[sflag:s19] =	ssyncset.done $0x0  }
0x39: {  	s29 =	sadd.s32 $0x1C00, s28;
	[sflag:s19] =	ssyncadd.s32 $0xFFFFD800  }
0x3a: {  	[spmem:s2] =	stream.indirect.scatter.add.f32 [tilespmem:s16], [sflag:$0x3], $0x80, s29, s15, $0xb8;
	[tilespmem:$0x1C800] =	vst v63  }
0x3b: {  	_ =	swait.ge [sflag:s20], $0x2800  }
0x3c: {  	[sflag:s20] =	ssyncset.done $0x0  }
0x3d: {  	s29 =	sadd.s32 $0x1C80, s28;
	[sflag:s20] =	ssyncadd.s32 $0xFFFFD800  }
0x3e: {  	[spmem:s2] =	stream.indirect.scatter.add.f32 [tilespmem:s18], [sflag:$0x4], $0x80, s29, s15, $0xb8;
	[tilespmem:$0x1C800] =	vst v63  }
0x3f: {  	_ =	swait.ge [sflag:s21], $0x2800  }
0x40: {  	[sflag:s21] =	ssyncset.done $0x0  }
.Ltmp0:
0x41: {  	s29 =	sadd.s32 $0x100, s28;
	[sflag:s21] =	ssyncadd.s32 $0xFFFFD800;
	(pc) =	sbr.rel @p0 .LBB2_3-.Ltmp0, $4  }
0x42: {  	[tilespmem:s16], [sflag:$0x1] =	stream.indirect.gather [hbm4b:s1+s15], $0x80, s29, s15, $0xb8;
	[tilespmem:$0x1C800] =	vst v63  }
0x43: {  	_ =	swait.ge [sflag:s22], $0x2800  }
0x44: {  	[sflag:s22] =	ssyncset.done $0x0  }
0x45: {  	s28 =	sadd.s32 $0x180, s28;
	[sflag:s22] =	ssyncadd.s32 $0xFFFFD800  }
0x46: {  	[tilespmem:s18], [sflag:$0x2] =	stream.indirect.gather [hbm4b:s1+s15], $0x80, s28, s15, $0xb8;
	[tilespmem:$0x1C800] =	vst v63  }
0x47: {  	_ =	swait.ge [sflag:s19], $0x2800  }
0x48: {  	[sflag:s19] =	ssyncset.done $0x0  }
0x49: {  	[sflag:s19] =	ssyncadd.s32 $0xFFFFD800  }
0x4a: {  	[spmem:s2] =	stream.indirect.scatter.add.f32 [tilespmem:s16], [sflag:$0x3], $0x80, s23, s15, $0xb8;
	[tilespmem:$0x1C800] =	vst v63  }
0x4b: {  	_ =	swait.ge [sflag:s20], $0x2800  }
0x4c: {  	[sflag:s20] =	ssyncset.done $0x0  }
0x4d: {  	s25 =	sadd.s32 $0x1, s25;
	[sflag:s20] =	ssyncadd.s32 $0xFFFFD800  }
0x4e: {  	[spmem:s2] =	stream.indirect.scatter.add.f32 [tilespmem:s18], [sflag:$0x4], $0x80, s24, s15, $0xb8;
	[tilespmem:$0x1C800] =	vst v63  }
0x4f: {  	p0 =	sne.s32 s25, $0x5;
	_ =	swait.ge [sflag:s21], $0x2800  }
.Ltmp1:
0x50: {  	[sflag:s21] =	ssyncset.done $0x0;
	(pc) =	sbr.rel @p0 .LBB2_2-.Ltmp1, $4  }
0x51: {  	[sflag:s21] =	ssyncadd.s32 $0xFFFFD800  }
0x52: {  	_ =	swait.ge [sflag:s22], $0x2800  }
0x53: {  	[sflag:s22] =	ssyncset.done $0x0  }
0x54: {  	[sflag:s22] =	ssyncadd.s32 $0xFFFFD800  }
0x55: {  	s4 =	sadd.s32 $0x1, s4  }
0x56: {  	p0 =	sne.s32 s4, s11  }
.Ltmp2:
0x57: {  	[bflag:$0x0] =	sbarrier.arrive $0xFFFF;
	(pc) =	sbr.rel @p0 .LBB2_1-.Ltmp2, $4  }
0x58: {  	[hbm:s10], [sflag:s8] =	dma.local [spmem:s12], $0x2800  }
0x59: {  	_ =	swait.ge [sflag:s13], $0x2800  }
0x5a: {  	[sflag:s13] =	ssyncset.done $0x0  }
0x5b: {  	[sflag:s13] =	ssyncadd.s32 $0xFFFFD800  }
0x5c: {  	_ =	sfence.sel $0x180000  }
0x5d: {  	[bflag:$0x0] =	sbarrier.arrive $0xFFFF  }
0x5e: {  	p0 =	sne.s32 s3, $0x0;
	_ =	strace $0x9000004D  }
0x5f: {  	s0 =	sadd.s32 @!p0 $0x100000, s0;
	[bflag:$0x2] =	sbarrier.arrive $0xFFFF  }
0x60: {  	[sflag:s0] =	ssyncadd.tile.s32 @!p0 $0x1;
	_ =	shalt  }
.Lfunc_end2:
_tile_overlayer_lowered:
.L_overlay_start_2:
0x61: {  	(tag) =	ssettag $0x2  }
0x62: {  	s0 =	rddreg [dreg:$0x0];
	s2 =	stileid.u32  }
0x63: {  	s1 =	rddreg [dreg:$0x1];
	p0 =	sne.s32 s2, $0x0  }
0x64: {  	s3 =	rddreg [dreg:$0x2];
	[bflag:$0x3] =	sbarrier.arrive $0xFFFF;
	s2 =	simm.s32 @!p0 $0x1C05  }
0x65: {  	[timem:s3], [sflag:s2] =	dma.local @!p0 [hbm:s0], s1  }
0x66: {  	s0 =	simm.s32 @!p0 $0x5  }
0x67: {  	_ =	swait.ge @!p0 [sflag:s0], s1  }
0x68: {  	s1 =	ssub.s32 @!p0 $0x0, s1;
	[sflag:s0] =	ssyncset.done @!p0 $0x0  }
0x69: {  	[sflag:s0] =	ssyncadd.s32 @!p0 s1  }
0x6a: {  	[bflag:$0x3] =	sbarrier.arrive $0xFFFF  }
0x6b: {  	_ =	shalt  }

// kernel: kernel.8.cloned.1.call-start
scs
__scs_entry_jumppad:
0x0: {  	(pc) =	sbr.rel $0x88, $3  }
0x1: {  	(tag) =	ssettag $0x0;
	lr =	simm.s32 $0x1  }
0x2: {  	[smem:$0x3F97] =	sst lr;
	_ =	strace $0xD0000000  }
0x3: {  	_ = 	snop  }
0x4: {  	_ = 	snop  }
0x5: {  	_ = 	snop  }
0x6: {  	_ = 	snop  }
0x7: {  	_ = 	snop  }
__scs_overlays_trampoline_lowered:
0x8: {  	[smem:$0x3FA6] =	sst s0  }
0x9: {  	[smem:$0x3FA7] =	sst s1  }
0xa: {  	[smem:$0x3FA8] =	sst s2  }
0xb: {  	[smem:$0x3FA9] =	sst s3  }
0xc: {  	[smem:$0x3FAA] =	sst s4  }
0xd: {  	[smem:$0x3FAB] =	sst s5  }
0xe: {  	[smem:$0x3FAC] =	sst s6  }
0xf: {  	[smem:$0x3FAD] =	sst s7  }
0x10: {  	[smem:$0x3FAE] =	sst s8  }
0x11: {  	[smem:$0x3FAF] =	sst s9;
	s0 =	simm.s32 @!p0 $0x0  }
0x12: {  	s1 =	sld [smem:$0x3F95];
	s0 =	simm.s32 @p0 $0x1  }
0x13: {  	[smem:$0x3FB0] =	sst s0;
	s0 =	simm.s32 @!p1 $0x0  }
0x14: {  	s2 =	sld [smem:$0x3F94];
	s0 =	simm.s32 @p1 $0x1  }
0x15: {  	[smem:$0x3FB1] =	sst s0;
	s0 =	simm.s32 @!p2 $0x0  }
0x16: {  	s3 =	sld [smem:$0x3FDB];
	s0 =	simm.s32 @p2 $0x1  }
0x17: {  	s4 =	simm.s32 $0x1BF5;
	[smem:$0x3FB3] =	sst s0  }
0x18: {  	s0 =	sld [smem:$0x3F96];
	_ =	swait.ge [sflag:s4], $0x0  }
0x19: {  	s7 =	sld [smem:$0x3F97]  }
0x1a: {  	s8 =	sadd.s32 $0xFFFFE003, lr  }
0x1b: {  	s9 =	sadd.s32 $0xFFFFFEF7, lr;
	s5 =	simm.s32 $0xFFFFFFFF;
	p2 =	slt.u32 s8, $0xFFFFF086  }
0x1c: {  	p1 =	slt.u32 s9, $0xF7A;
	s5 =	simm.s32 @!p2 $0x0  }
0x1d: {  	s5 =	simm.s32 @p1 $0x1;
	p0 =	seq.s32 s7, s2  }
0x1e: {  	s7 =	smul.u32 @!p0 $0xF7A, s2;
	p2 =	seq.s32 @!p0 s5, $0x0  }
0x1f: {  	s9 =	smul.u32 $0xF7A, s1;
	s8 =	simm.s32 @!p0 $0x1BF5;
	p2 =	por !p2, p0  }
0x20: {  	[sflag:s8] =	ssyncset.s32 @!p0 $0xFFFFF086;
	s6 =	sadd.s32 @!p0 s3, s7;
	s7 =	simm.s32 @!p0 $0x108  }
0x21: {  	s3 =	sadd.s32 s3, s9;
	s6 =	sadd.s32 @!p0 $0x88, s6;
	s7 =	simm.s32 @p2 $0x1082  }
0x22: {  	[simem:s7], [sflag:s8] =	dma.local @!p0 [hbm:s6], $0xF7A  }
0x23: {  	s9 =	sor.u32 $0xD0000000, s2;
	s6 =	simm.s32 $0x108;
	_ =	swait.ge @!p0 [sflag:s8], $0x0  }
0x24: {  	s3 =	sadd.s32 $0x88, s3;
	s6 =	simm.s32 @!p1 $0x1082;
	[sflag:s4] =	ssyncset.s32 $0xFFFFF086  }
0x25: {  	[simem:s6], [sflag:s4] =	dma.local [hbm:s3], $0xF7A  }
0x26: {  	[smem:$0x3F97] =	sst s1;
	(tag) =	ssettag s2;
	_ =	strace s9  }
0x27: {  	s1 =	sld [smem:$0x3FA7]  }
0x28: {  	s2 =	sld [smem:$0x3FA8]  }
0x29: {  	s4 =	sld [smem:$0x3FAA]  }
0x2a: {  	p0 =	seq.s32 s5, $0x0;
	s5 =	sld [smem:$0x3FAB]  }
0x2b: {  	s6 =	sld [smem:$0x3FAC]  }
0x2c: {  	s7 =	sld [smem:$0x3FAD]  }
0x2d: {  	s3 =	simm.s32 $0x108;
	s8 =	sld [smem:$0x3FAE]  }
0x2e: {  	s3 =	simm.s32 @!p0 $0x1082;
	s9 =	sld [smem:$0x3FAF]  }
0x2f: {  	lr =	sadd.s32 s0, s3;
	s0 =	sld [smem:$0x3FA6]  }
0x30: {  	s3 =	sld [smem:$0x3FA9]  }
0x31: {  	[smem:$0x3FB2] =	sst s10  }
0x32: {  	s10 =	sld [smem:$0x3FB0];
	_ =	sdelay $0x3  }
0x33: {  	p0 =	seq.s32 s10, $0x1;
	s10 =	sld [smem:$0x3FB2];
	_ =	sdelay $0x3  }
0x34: {  	[smem:$0x3FB2] =	sst s10  }
0x35: {  	s10 =	sld [smem:$0x3FB1];
	_ =	sdelay $0x3  }
0x36: {  	p1 =	seq.s32 s10, $0x1;
	s10 =	sld [smem:$0x3FB2];
	_ =	sdelay $0x3  }
0x37: {  	[smem:$0x3FB2] =	sst s10  }
0x38: {  	s10 =	sld [smem:$0x3FB3]  }
0x39: {  	_ = 	snop;
	(pc) =	sbr.ind lr, $3  }
0x3a: {  	_ = 	snop  }
0x3b: {  	_ = 	snop  }
0x3c: {  	p2 =	seq.s32 s10, $0x1;
	s10 =	sld [smem:$0x3FB2]  }
0x3d: {  	_ =	shalt  }
0x3e: {  	_ =	shalt  }
0x3f: {  	_ =	shalt  }
0x40: {  	_ =	shalt  }
0x41: {  	_ =	shalt  }
0x42: {  	_ =	shalt  }
0x43: {  	_ =	shalt  }
0x44: {  	_ =	shalt  }
0x45: {  	_ =	shalt  }
0x46: {  	_ =	shalt  }
0x47: {  	_ =	shalt  }
0x48: {  	_ =	shalt  }
0x49: {  	_ =	shalt  }
0x4a: {  	_ =	shalt  }
0x4b: {  	_ =	shalt  }
0x4c: {  	_ =	shalt  }
0x4d: {  	_ =	shalt  }
0x4e: {  	_ =	shalt  }
0x4f: {  	_ =	shalt  }
0x50: {  	_ =	shalt  }
0x51: {  	_ =	shalt  }
0x52: {  	_ =	shalt  }
0x53: {  	_ =	shalt  }
0x54: {  	_ =	shalt  }
0x55: {  	_ =	shalt  }
0x56: {  	_ =	shalt  }
0x57: {  	_ =	shalt  }
0x58: {  	_ =	shalt  }
0x59: {  	_ =	shalt  }
0x5a: {  	_ =	shalt  }
0x5b: {  	_ =	shalt  }
0x5c: {  	_ =	shalt  }
0x5d: {  	_ =	shalt  }
0x5e: {  	_ =	shalt  }
0x5f: {  	_ =	shalt  }
0x60: {  	_ =	shalt  }
0x61: {  	_ =	shalt  }
0x62: {  	_ =	shalt  }
0x63: {  	_ =	shalt  }
0x64: {  	_ =	shalt  }
0x65: {  	_ =	shalt  }
0x66: {  	_ =	shalt  }
0x67: {  	_ =	shalt  }
0x68: {  	_ =	shalt  }
0x69: {  	_ =	shalt  }
0x6a: {  	_ =	shalt  }
0x6b: {  	_ =	shalt  }
0x6c: {  	_ =	shalt  }
0x6d: {  	_ =	shalt  }
0x6e: {  	_ =	shalt  }
0x6f: {  	_ =	shalt  }
0x70: {  	_ =	shalt  }
0x71: {  	_ =	shalt  }
0x72: {  	_ =	shalt  }
0x73: {  	_ =	shalt  }
0x74: {  	_ =	shalt  }
0x75: {  	_ =	shalt  }
0x76: {  	_ =	shalt  }
0x77: {  	_ =	shalt  }
0x78: {  	_ =	shalt  }
0x79: {  	_ =	shalt  }
0x7a: {  	_ =	shalt  }
0x7b: {  	_ =	shalt  }
0x7c: {  	_ =	shalt  }
0x7d: {  	_ =	shalt  }
0x7e: {  	_ =	shalt  }
0x7f: {  	_ =	shalt  }
0x80: {  	_ =	shalt  }
0x81: {  	_ =	shalt  }
0x82: {  	_ =	shalt  }
0x83: {  	_ =	shalt  }
0x84: {  	_ =	shalt  }
0x85: {  	_ =	shalt  }
0x86: {  	_ =	shalt  }
0x87: {  	_ =	shalt  }
.Lfunc_end0:
.L_simem_size_0:
called_computation_lowered:
.L_overlay_start_0:
0x88: {  	s2 =	sld [smem:$0x3FD9]  }
0x89: {  	s3 =	sld [smem:$0x3FFE];
	_ =	sdelay $0x1  }
0x8a: {  	s1 =	srdreg.scid  }
0x8b: {  	s0 =	sand.u32 $0x1, s1  }
0x8c: {  	s17 =	sshll.u32 s0, $0xA;
	s2 =	sadd.s32 s3, s2  }
0x8d: {  	s2 =	sadd.s32 s2, s17  }
0x8e: {  	[smem:$0x3FBE] =	sst s2  }
0x8f: {  	_ = 	snop  }
0x90: {  	s2 =	sld [smem:$0x3FC9];
	(tm) =	ssettm $0x1  }
0x91: {  	s18 =	sld [smem:$0x3FFB];
	_ =	sdelay $0x3  }
0x92: {  	_ =	strace s18  }
0x93: {  	s3 =	sld [smem:$0x3FFC];
	_ =	sdelay $0x3  }
0x94: {  	_ =	strace s3  }
0x95: {  	s3 =	sld [smem:$0x3FFD];
	_ =	sdelay $0x3  }
0x96: {  	_ =	strace s3  }
0x97: {  	_ =	strace $0x8FFFFFFF  }
0x98: {  	s19 =	sld [smem:$0x3FDB];
	_ =	sdelay $0x1  }
0x99: {  	s4 =	simm.s32 $_scs_section_size  }
0x9a: {  	s5 =	simm.s32 $_size__tile_overlayer_lowered;
	s6 =	simm.s32 $_tile_overlayer_lowered  }
0x9b: {  	s22 =	simm.s32 $0x1BFF;
	s21 =	sshll.u32 s6, $0x1;
	s3 =	sadd.s32 s4, s19  }
0x9c: {  	s7 =	simm.s32 $0x0;
	s20 =	sshll.u32 s5, $0x1;
	s5 =	sadd.s32 s21, s3  }
0x9d: {  	[timem:s7], [sflag:s22] =	dma.local [hbm:s5], s20  }
0x9e: {  	_ =	swait.ge [sflag:s22], s20  }
0x9f: {  	s4 =	ssub.s32 $0x0, s20;
	[sflag:s22] =	ssyncset.done $0x0  }
0xa0: {  	[sflag:s22] =	ssyncadd.s32 s4;
	_ =	sdelay $0x1  }
0xa1: {  	s23 =	simm.s32 $0x1B8B  }
0xa2: {  	_ =	swait.ge [sflag:s23], $0x1  }
0xa3: {  	[sflag:s23] =	ssyncset.done $0x0  }
0xa4: {  	s25 =	simm.s32 $0x1B8E;
	s24 =	sld [smem:$0x3FFE];
	[sflag:s23] =	ssyncadd.s32 $0xFFFFFFFF  }
0xa5: {  	s26 =	simm.s32 $execute0_lowered;
	[smem:$0x3FD2] =	sst s25  }
0xa6: {  	s5 =	sshll.u32 s26, $0x1;
	_ =	strace $0x80000046;
	[dreg:$0x1] =	wrdreg $0xFFFFFFFF  }
0xa7: {  	s28 =	simm.s32 $_size_execute0_lowered;
	s3 =	sadd.s32 s3, s5;
	[dreg:$0x0] =	wrdreg $0x0  }
0xa8: {  	s5 =	sshll.u32 s28, $0x1;
	[dreg:$0x2] =	wrdreg s3  }
0xa9: {  	[dreg:$0x3] =	wrdreg s5  }
0xaa: {  	[dreg:$0x4] =	wrdreg $0xC0  }
0xab: {  	_ =	task [dreg:s7], $0x5FFFF  }
0xac: {  	[dreg:$0x1] =	wrdreg $0xFFFFFFFF  }
0xad: {  	[dreg:$0x0] =	wrdreg $0x60  }
0xae: {  	[dreg:$0x2] =	wrdreg s2  }
0xaf: {  	[dreg:$0x3] =	wrdreg s24  }
0xb0: {  	[dreg:$0x4] =	wrdreg $0x88000  }
0xb1: {  	[dreg:$0x5] =	wrdreg $0x9  }
0xb2: {  	_ =	task.clear_ibuf [dreg:s7], $0x6FFFF;
	_ =	strace $0x90000046  }
0xb3: {  	s29 =	simm.s32 $0x9;
	_ =	strace $0x80000048  }
0xb4: {  	_ =	swait.ge [sflag:s29], $0x1  }
0xb5: {  	[sflag:s29] =	ssyncadd.s32 $0xFFFFFFFF  }
0xb6: {  	_ =	strace $0x90000048  }
0xb7: {  	_ =	sfence  }
0xb8: {  	s30 =	sld [smem:$0x0];
	_ =	sdelay $0x2  }
0xb9: {  	s31 =	sshll.u32 s1, $0xD;
	s1 =	sshrl.u32 s1, $0x2  }
0xba: {  	s3 =	sand.u32 $0x4000, s31;
	s1 =	sadd.s32 s1, s30  }
0xbb: {  	s0 =	sor.u32 s3, s0;
	s1 =	sshll.u32 s1, $0x11  }
0xbc: {  	s0 =	sor.u32 s1, s0  }
0xbd: {  	s0 =	sadd.s32 $0x8F2B, s0  }
0xbe: {  	[sflag:s0] =	ssyncadd.remote.s32 $0x1  }
0xbf: {  	_ =	sfence.sel $0xFFFF  }
0xc0: {  	[dreg:$0x0] =	wrdreg $0xFFFFFFFF;
	(pc) =	sbr.abs _section_cstart, $3  }
0xc1: {  	[dreg:$0x1] =	wrdreg $0xFFFFFFFF  }
0xc2: {  	_ =	task.clear_ibuf [dreg:s7], $0x2FFFF;
	_ =	strace $0x9FFFFFFF  }
0xc3: {  	(tm) =	ssettm $0x7FFFFFFF  }
tec
execute0_lowered:
.L_overlay_start_1:
0x0: {  	(tag) =	ssettag $0x1  }
0x1: {  	s1 =	rddreg [dreg:$0x0]  }
0x2: {  	s8 =	rddreg [dreg:$0x1]  }
0x3: {  	s2 =	rddreg [dreg:$0x2]  }
0x4: {  	s3 =	srdreg.scid;
	s0 =	rddreg [dreg:$0x3]  }
0x5: {  	s4 =	simm.s32 $0x0;
	s14 =	simm.s32 $0x1C00;
	s15 =	simm.s32 $0x50  }
0x6: {  	s16 =	simm.s32 $0x3800;
	s17 =	simm.s32 $0x80;
	s18 =	simm.s32 $0x6000  }
0x7: {  	s19 =	simm.s32 $0x1;
	s20 =	simm.s32 $0x2;
	s21 =	simm.s32 $0x3  }
0x8: {  	s22 =	simm.s32 $0x4;
	s23 =	simm.s32 $0x3400;
	s24 =	simm.s32 $0x3480  }
0x9: {  	s9 =	sand.u32 $0x1, s3;
	s3 =	stileid.u32;
	[smem:$0x7FF] =	sst s4  }
0xa: {  	s5 =	sadd.s32 $0x1E00, s8;
	s6 =	sadd.s32 $0x24E00, s8;
	s10 =	smul.u32 $0x140000, s9  }
0xb: {  	s7 =	sadd.s32 $0x47E00, s8;
	s11 =	smul.u32 $0x14000, s3;
	_ =	strace $0x80000047  }
0xc: {  	s28 =	ssub.s32 $0x2, s9;
	s13 =	smul.u32 $0x50000, s3;
	s29 =	sshll.u32 s3, $0x1  }
0xd: {  	s31 =	sshll.u32 s3, $0x6;
	s12 =	sshrl.u32 s28, $0x1;
	s9 =	sor.u32 s9, s29  }
0xe: {  	s10 =	sadd.s32 s11, s10;
	s11 =	ssub.s32 s28, s12;
	s30 =	sshrl.u32 s13, $0x2  }
0xf: {  	s9 =	smul.u32 $0x8C00, s9;
	s10 =	sshrl.u32 s10, $0x3;
	s13 =	sadd.s32 s30, s2  }
0x10: {  	s11 =	smax.u32 s11, $0x1;
	s10 =	sadd.s32 s10, s8;
	s8 =	sor.u32 $0x1C05, s31  }
0x11: {  	s12 =	sshrl.u32 s13, $0x3;
	s13 =	simm.s32 $0x5;
	s10 =	sadd.s32 $0x4A600, s10  }
.LBB2_1:
0x12: {  	[spmem:s12], [sflag:s8] =	dma.local [hbm:s7], $0x2800  }
0x13: {  	_ =	swait.ge [sflag:s13], $0x2800  }
0x14: {  	[sflag:s13] =	ssyncset.done $0x0  }
0x15: {  	[sflag:s13] =	ssyncadd.s32 $0xFFFFD800  }
0x16: {  	s25 =	simm.s32 $0x0;
	[bflag:$0x0] =	sbarrier.arrive $0xFFFF  }
.LBB2_2:
0x17: {  	s26 =	smul.u32 $0x1C00, s25;
	_ =	sdelay $0x1  }
0x18: {  	s26 =	sadd.s32 s9, s26  }
0x19: {  	s26 =	sshrl.u32 s26, $0x3  }
0x1a: {  	s29 =	simm.s32 $0x0;
	s28 =	sadd.s32 s5, s26  }
0x1b: {  	[tilespmem:s29], [sflag:$0x5] =	stream.linear.gather [hbm4b:s28+s29], $0x1900, $0x38;
	[tilespmem:$0x1C800] =	vst v63  }
0x1c: {  	_ =	swait.ge [sflag:s13], $0x1900  }
0x1d: {  	[sflag:s13] =	ssyncset.done $0x0  }
0x1e: {  	s26 =	sadd.s32 s6, s26;
	[sflag:s13] =	ssyncadd.s32 $0xFFFFE700  }
0x1f: {  	[tilespmem:s14], [sflag:$0x5] =	stream.linear.gather [hbm4b:s26+s29], $0x1900, $0x38;
	[tilespmem:$0x1C800] =	vst v63  }
0x20: {  	_ =	swait.ge [sflag:s13], $0x1900  }
0x21: {  	[sflag:s13] =	ssyncset.done $0x0  }
0x22: {  	[sflag:s13] =	ssyncadd.s32 $0xFFFFE700  }
0x23: {  	[tilespmem:s16], [sflag:$0x1] =	stream.indirect.gather [hbm4b:s1+s15], $0x80, s29, s15, $0xb8;
	[tilespmem:$0x1C800] =	vst v63  }
0x24: {  	_ = 	snop  }
0x25: {  	[tilespmem:s18], [sflag:$0x2] =	stream.indirect.gather [hbm4b:s1+s15], $0x80, s17, s15, $0xb8;
	[tilespmem:$0x1C800] =	vst v63  }
0x26: {  	_ =	swait.ge [sflag:s19], $0x2800  }
0x27: {  	[sflag:s19] =	ssyncset.done $0x0  }
0x28: {  	s29 =	simm.s32 $0x1C00;
	[sflag:s19] =	ssyncadd.s32 $0xFFFFD800  }
0x29: {  	[spmem:s2] =	stream.indirect.scatter.add.f32 [tilespmem:s16], [sflag:$0x3], $0x80, s29, s15, $0xb8;
	[tilespmem:$0x1C800] =	vst v63  }
0x2a: {  	_ =	swait.ge [sflag:s20], $0x2800  }
0x2b: {  	[sflag:s20] =	ssyncset.done $0x0  }
0x2c: {  	s30 =	simm.s32 $0x1C80;
	[sflag:s20] =	ssyncadd.s32 $0xFFFFD800  }
0x2d: {  	[spmem:s2] =	stream.indirect.scatter.add.f32 [tilespmem:s18], [sflag:$0x4], $0x80, s30, s15, $0xb8;
	[tilespmem:$0x1C800] =	vst v63  }
0x2e: {  	_ =	swait.ge [sflag:s21], $0x2800  }
0x2f: {  	[sflag:s21] =	ssyncset.done $0x0  }
0x30: {  	s31 =	simm.s32 $0x100;
	[sflag:s21] =	ssyncadd.s32 $0xFFFFD800  }
0x31: {  	[tilespmem:s16], [sflag:$0x1] =	stream.indirect.gather [hbm4b:s1+s15], $0x80, s31, s15, $0xb8;
	[tilespmem:$0x1C800] =	vst v63  }
0x32: {  	_ =	swait.ge [sflag:s22], $0x2800  }
0x33: {  	[sflag:s22] =	ssyncset.done $0x0  }
0x34: {  	s28 =	simm.s32 $0x180;
	s26 =	simm.s32 $0x400;
	[sflag:s22] =	ssyncadd.s32 $0xFFFFD800  }
.LBB2_3:
0x35: {  	[tilespmem:s18], [sflag:$0x2] =	stream.indirect.gather [hbm4b:s1+s15], $0x80, s28, s15, $0xb8;
	[tilespmem:$0x1C800] =	vst v63  }
0x36: {  	s28 =	smov.u32 s26  }
0x37: {  	p0 =	sne.s32 s26, $0x5C00;
	s26 =	sadd.s32 $0x400, s26;
	_ =	swait.ge [sflag:s19], $0x2800  }
0x38: {  	s28 =	sshra.s32 s28, $0x2;
	[sflag:s19] =	ssyncset.done $0x0  }
0x39: {  	s29 =	sadd.s32 $0x1C00, s28;
	[sflag:s19] =	ssyncadd.s32 $0xFFFFD800  }
0x3a: {  	[spmem:s2] =	stream.indirect.scatter.add.f32 [tilespmem:s16], [sflag:$0x3], $0x80, s29, s15, $0xb8;
	[tilespmem:$0x1C800] =	vst v63  }
0x3b: {  	_ =	swait.ge [sflag:s20], $0x2800  }
0x3c: {  	[sflag:s20] =	ssyncset.done $0x0  }
0x3d: {  	s29 =	sadd.s32 $0x1C80, s28;
	[sflag:s20] =	ssyncadd.s32 $0xFFFFD800  }
0x3e: {  	[spmem:s2] =	stream.indirect.scatter.add.f32 [tilespmem:s18], [sflag:$0x4], $0x80, s29, s15, $0xb8;
	[tilespmem:$0x1C800] =	vst v63  }
0x3f: {  	_ =	swait.ge [sflag:s21], $0x2800  }
0x40: {  	[sflag:s21] =	ssyncset.done $0x0  }
.Ltmp0:
0x41: {  	s29 =	sadd.s32 $0x100, s28;
	[sflag:s21] =	ssyncadd.s32 $0xFFFFD800;
	(pc) =	sbr.rel @p0 .LBB2_3-.Ltmp0, $4  }
0x42: {  	[tilespmem:s16], [sflag:$0x1] =	stream.indirect.gather [hbm4b:s1+s15], $0x80, s29, s15, $0xb8;
	[tilespmem:$0x1C800] =	vst v63  }
0x43: {  	_ =	swait.ge [sflag:s22], $0x2800  }
0x44: {  	[sflag:s22] =	ssyncset.done $0x0  }
0x45: {  	s28 =	sadd.s32 $0x180, s28;
	[sflag:s22] =	ssyncadd.s32 $0xFFFFD800  }
0x46: {  	[tilespmem:s18], [sflag:$0x2] =	stream.indirect.gather [hbm4b:s1+s15], $0x80, s28, s15, $0xb8;
	[tilespmem:$0x1C800] =	vst v63  }
0x47: {  	_ =	swait.ge [sflag:s19], $0x2800  }
0x48: {  	[sflag:s19] =	ssyncset.done $0x0  }
0x49: {  	[sflag:s19] =	ssyncadd.s32 $0xFFFFD800  }
0x4a: {  	[spmem:s2] =	stream.indirect.scatter.add.f32 [tilespmem:s16], [sflag:$0x3], $0x80, s23, s15, $0xb8;
	[tilespmem:$0x1C800] =	vst v63  }
0x4b: {  	_ =	swait.ge [sflag:s20], $0x2800  }
0x4c: {  	[sflag:s20] =	ssyncset.done $0x0  }
0x4d: {  	s25 =	sadd.s32 $0x1, s25;
	[sflag:s20] =	ssyncadd.s32 $0xFFFFD800  }
0x4e: {  	[spmem:s2] =	stream.indirect.scatter.add.f32 [tilespmem:s18], [sflag:$0x4], $0x80, s24, s15, $0xb8;
	[tilespmem:$0x1C800] =	vst v63  }
0x4f: {  	p0 =	sne.s32 s25, $0x5;
	_ =	swait.ge [sflag:s21], $0x2800  }
.Ltmp1:
0x50: {  	[sflag:s21] =	ssyncset.done $0x0;
	(pc) =	sbr.rel @p0 .LBB2_2-.Ltmp1, $4  }
0x51: {  	[sflag:s21] =	ssyncadd.s32 $0xFFFFD800  }
0x52: {  	_ =	swait.ge [sflag:s22], $0x2800  }
0x53: {  	[sflag:s22] =	ssyncset.done $0x0  }
0x54: {  	[sflag:s22] =	ssyncadd.s32 $0xFFFFD800  }
0x55: {  	s4 =	sadd.s32 $0x1, s4  }
0x56: {  	p0 =	sne.s32 s4, s11  }
.Ltmp2:
0x57: {  	[bflag:$0x0] =	sbarrier.arrive $0xFFFF;
	(pc) =	sbr.rel @p0 .LBB2_1-.Ltmp2, $4  }
0x58: {  	[hbm:s10], [sflag:s8] =	dma.local [spmem:s12], $0x2800  }
0x59: {  	_ =	swait.ge [sflag:s13], $0x2800  }
0x5a: {  	[sflag:s13] =	ssyncset.done $0x0  }
0x5b: {  	[sflag:s13] =	ssyncadd.s32 $0xFFFFD800  }
0x5c: {  	_ =	sfence.sel $0x180000  }
0x5d: {  	[bflag:$0x0] =	sbarrier.arrive $0xFFFF  }
0x5e: {  	p0 =	sne.s32 s3, $0x0;
	_ =	strace $0x90000047  }
0x5f: {  	s0 =	sadd.s32 @!p0 $0x100000, s0;
	[bflag:$0x2] =	sbarrier.arrive $0xFFFF  }
0x60: {  	[sflag:s0] =	ssyncadd.tile.s32 @!p0 $0x1;
	_ =	shalt  }
.Lfunc_end2:
_tile_overlayer_lowered:
.L_overlay_start_2:
0x61: {  	(tag) =	ssettag $0x2  }
0x62: {  	s0 =	rddreg [dreg:$0x0];
	s2 =	stileid.u32  }
0x63: {  	s1 =	rddreg [dreg:$0x1];
	p0 =	sne.s32 s2, $0x0  }
0x64: {  	s3 =	rddreg [dreg:$0x2];
	[bflag:$0x3] =	sbarrier.arrive $0xFFFF;
	s2 =	simm.s32 @!p0 $0x1C05  }
0x65: {  	[timem:s3], [sflag:s2] =	dma.local @!p0 [hbm:s0], s1  }
0x66: {  	s0 =	simm.s32 @!p0 $0x5  }
0x67: {  	_ =	swait.ge @!p0 [sflag:s0], s1  }
0x68: {  	s1 =	ssub.s32 @!p0 $0x0, s1;
	[sflag:s0] =	ssyncset.done @!p0 $0x0  }
0x69: {  	[sflag:s0] =	ssyncadd.s32 @!p0 s1  }
0x6a: {  	[bflag:$0x3] =	sbarrier.arrive $0xFFFF  }
0x6b: {  	_ =	shalt  }

</sc_bundles>
